<compile_context>
chip_gen: v7x
topology: tpu7x:2x2x1
jax: 0.10.2.dev20260603
libtpu: 0.0.44.dev20260713+nightly
codegen_flags: <defaults>
</compile_context>

<pallas_src>
import functools
import math

import jax
import jax.numpy as jnp
from jax import lax
from jax.experimental import pallas as pl
from jax.experimental.pallas import tpu as pltpu
from jax.experimental.pallas import tpu_sc as plsc

D = 64
L = 200
B = 4096
NW = 32
BPW = B // NW
NBUF = 2
SCALE = math.sqrt(D)


def _pe_kernel(out_ref):
    pos = lax.broadcasted_iota(jnp.int32, (L, D), 0).astype(jnp.float32)
    col = lax.broadcasted_iota(jnp.int32, (L, D), 1)
    even = col - (col % 2)
    div = jnp.exp(even.astype(jnp.float32) * (-math.log(10000.0) / D))
    ang = pos * div
    out_ref[...] = jnp.where(col % 2 == 0, jnp.sin(ang), jnp.cos(ang))


def _pe_table():
    return pl.pallas_call(
        _pe_kernel,
        out_shape=jax.ShapeDtypeStruct((L, D), jnp.float32),
    )()


def _sc_kernel(idxT_hbm, table_hbm, pe_hbm, out_hbm,
               pe_v, idx_all, *bufs):
    rows = list(bufs[0:NBUF])
    stage = list(bufs[NBUF:2 * NBUF])
    gsem = list(bufs[2 * NBUF:3 * NBUF])
    osem = list(bufs[3 * NBUF:4 * NBUF])

    wid = lax.axis_index("s") * 2 + lax.axis_index("c")

    pltpu.sync_copy(pe_hbm, pe_v)
    pltpu.sync_copy(idxT_hbm.at[pl.ds(0, L), pl.ds(BPW * wid, BPW)], idx_all)

    lane16 = lax.iota(jnp.int32, 16)
    lo8 = lane16 % 8
    hi8 = lane16 // 8
    dbs = [hi8 + 2 * j for j in range(D // 16)]

    def fire(c, b):
        pltpu.async_copy(table_hbm.at[idx_all.at[c]], rows[b], gsem[b])

    def drain_g(b):
        pltpu.make_async_copy(table_hbm.at[pl.ds(0, BPW)], rows[b],
                              gsem[b]).wait()

    def drain_o(b):
        pltpu.make_async_copy(out_hbm.at[0, pl.ds(0, 8), 0],
                              stage[b].at[pl.ds(0, 8), pl.ds(0, 8),
                                          pl.ds(0, 128)],
                              osem[b]).wait()

    for b in range(NBUF - 1):
        fire(b, b)

    def body(g, _):
        for b in range(NBUF):
            c = g * NBUF + b
            bb = (b + NBUF - 1) % NBUF

            if b == 0:
                @pl.when(g > 0)
                def _():
                    drain_o(bb)
                fire(c + NBUF - 1, bb)
            else:
                @pl.when(g < L // NBUF - 1)
                def _():
                    drain_o(bb)
                    fire(c + NBUF - 1, bb)

            drain_g(b)

            pes = [pe_v[c, pl.ds(16 * j, 16)] for j in range(D // 16)]

            @plsc.parallel_loop(0, BPW, unroll=4)
            def cr(r, b=b):
                rv = jnp.zeros((16,), jnp.int32) + r
                for j in range(D // 16):
                    val = rows[b][r, pl.ds(16 * j, 16)] * SCALE + pes[j]
                    plsc.store_scatter(stage[b], [dbs[j], lo8, rv], val)

            pltpu.async_copy(stage[b].at[pl.ds(0, 8), pl.ds(0, 8),
                                         pl.ds(0, 128)],
                             out_hbm.at[c, pl.ds(0, 8), wid],
                             osem[b])
        return ()

    lax.fori_loop(0, L // NBUF, body, ())

    for b in range(NBUF):
        drain_o(b)


def _make_sc_call():
    mesh = plsc.VectorSubcoreMesh(core_axis_name="c", subcore_axis_name="s")
    scratch = [pltpu.VMEM((L, D), jnp.float32),
               pltpu.VMEM((L, BPW), jnp.int32)]
    scratch += [pltpu.VMEM((BPW, 128), jnp.float32) for _ in range(NBUF)]
    scratch += [pltpu.VMEM((8, 8, 131), jnp.float32) for _ in range(NBUF)]
    scratch += [pltpu.SemaphoreType.DMA for _ in range(2 * NBUF)]
    return functools.partial(
        pl.kernel,
        out_type=jax.ShapeDtypeStruct((L, 8, 32, 8, 128), jnp.float32),
        mesh=mesh,
        scratch_types=scratch,
        compiler_params=pltpu.CompilerParams(use_tc_tiling_on_sc=False,
                                             needs_layout_passes=False),
    )(_sc_kernel)


def kernel(input_sequence, table):
    b, l = input_sequence.shape
    v, d = table.shape
    assert (b, l, d) == (B, L, D)
    idxT = input_sequence.astype(jnp.int32).T
    tblp = jnp.pad(table, ((0, 0), (0, 128 - D)))
    pe = _pe_table()
    out5 = _make_sc_call()(idxT, tblp, pe)
    return out5.transpose(2, 4, 0, 1, 3).reshape(B, L, D)

# --- scband reference (transcript-rebuilt; emitter-appended) ---
"""Pipeline reference for scband-positional-embedding-79534204387592 (READ-ONLY COPY).

The authoritative reference and input builder live on the scoring server;
editing this copy changes nothing except your own understanding.
"""

import jax, jax.numpy as jnp
import numpy as np
import math

VOCAB = 1000000
D = 64
B = 4096
L = 200

def _sinusoidal_pe(L, d):
    pos = jnp.arange(L, dtype=jnp.float32)[:, None]
    div = jnp.exp(jnp.arange(0, d, 2, dtype=jnp.float32) * (-math.log(10000.0) / d))
    pe = jnp.zeros((L, d), dtype=jnp.float32)
    pe = pe.at[:, 0::2].set(jnp.sin(pos * div))
    pe = pe.at[:, 1::2].set(jnp.cos(pos * div))
    return pe

def setup_inputs(seed: int = 0) -> dict:
    key = jax.random.key(seed)
    k1, k2 = jax.random.split(key)
    input_sequence = jax.random.randint(k1, (B, L), 0, VOCAB, dtype=jnp.int64)
    table = jax.random.normal(k2, (VOCAB, D), dtype=jnp.float32) * 0.02
    return {"input_sequence": input_sequence, "table": table}

def reference(input_sequence, table):
    # embedding lookup (gather)
    embs = jnp.take(table, input_sequence, axis=0)
    emb_dim = embs.shape[-1]
    # scale by sqrt(d_model)
    embs = embs * math.sqrt(emb_dim)
    # additive sinusoidal positional encoding
    pe = _sinusoidal_pe(input_sequence.shape[1], emb_dim)
    posed_embs = embs + pe[None, :, :]
    return posed_embs

if __name__ == "__main__":
    import jax
    _d = setup_inputs()
    print(jax.jit(kernel)(*tuple(_d.values())))

</pallas_src>

<mosaic_0001>
#map = affine_map<(d0, d1) -> (0, 0)>
#map1 = affine_map<(d0, d1) -> (0, 0, 0, 0, 0)>
module attributes {stable_mosaic.version = 14 : i64} {
  func.func @_sc_kernel(%arg0: i32, %arg1: i32, %arg2: memref<200x4096xi32, #tpu.memory_space<hbm>>, %arg3: memref<1000000x128xf32, #tpu.memory_space<hbm>>, %arg4: memref<200x64xf32, #tpu.memory_space<hbm>>, %arg5: memref<200x8x32x8x128xf32, #tpu.memory_space<hbm>>, %arg6: memref<200x64xf32, #tpu.memory_space<vmem>>, %arg7: memref<200x128xi32, #tpu.memory_space<vmem>>, %arg8: memref<128x128xf32, #tpu.memory_space<vmem>>, %arg9: memref<128x128xf32, #tpu.memory_space<vmem>>, %arg10: memref<8x8x131xf32, #tpu.memory_space<vmem>>, %arg11: memref<8x8x131xf32, #tpu.memory_space<vmem>>, %arg12: memref<!tpu.dma_semaphore, #tpu.memory_space<semaphore_mem>>, %arg13: memref<!tpu.dma_semaphore, #tpu.memory_space<semaphore_mem>>, %arg14: memref<!tpu.dma_semaphore, #tpu.memory_space<semaphore_mem>>, %arg15: memref<!tpu.dma_semaphore, #tpu.memory_space<semaphore_mem>>) attributes {dimension_semantics = [#tpu.dimension_semantics<core_parallel>, #tpu.dimension_semantics<subcore_parallel>], iteration_bounds = array<i64: 2, 16>, scalar_prefetch = 0 : i64, scratch_operands = 10 : i64, tpu.core_type = #tpu.core_type<sc_vector_subcore>, window_params = [{transform_indices = #map}, {transform_indices = #map}, {transform_indices = #map}, {transform_indices = #map1}]} {
    %mul3A = arith.constant 2 : i32
    %mul3A_0 = arith.muli %arg1, %mul3A : i32
    %add3A = arith.addi %mul3A_0, %arg0 : i32
    "tpu.region"() ({
      %run_scoped3A = tpu.sem_alloc : memref<!tpu.dma_semaphore, #tpu.memory_space<semaphore_mem>>
      tpu.enqueue_dma source(%arg4 : memref<200x64xf32, #tpu.memory_space<hbm>>) target(%arg6 : memref<200x64xf32, #tpu.memory_space<vmem>>) target_semaphore(%run_scoped3A : memref<!tpu.dma_semaphore, #tpu.memory_space<semaphore_mem>>)
      tpu.wait_dma2 semaphore(%run_scoped3A : memref<!tpu.dma_semaphore, #tpu.memory_space<semaphore_mem>>) src(%arg4 : memref<200x64xf32, #tpu.memory_space<hbm>>) dst(%arg6 : memref<200x64xf32, #tpu.memory_space<vmem>>)
      tpu.yield
    }) : () -> ()
    %mul3A_1 = arith.constant 128 : i32
    %mul3A_2 = arith.muli %mul3A_1, %add3A : i32
    "tpu.region"() ({
      %run_scoped3A = tpu.sem_alloc : memref<!tpu.dma_semaphore, #tpu.memory_space<semaphore_mem>>
      %dma_start3A_107 = arith.constant 0 : i32
      %dma_start3A_108 = tpu.memref_slice %arg2[%dma_start3A_107, %mul3A_2] : memref<200x4096xi32, #tpu.memory_space<hbm>> -> memref<200x128xi32, #tpu.memory_space<hbm>>
      %dma_start3A_109 = arith.constant 0 : i32
      %dma_start3A_110 = tpu.memref_slice %arg2[%dma_start3A_109, %mul3A_2] : memref<200x4096xi32, #tpu.memory_space<hbm>> -> memref<200x128xi32, #tpu.memory_space<hbm>>
      tpu.enqueue_dma source(%dma_start3A_110 : memref<200x128xi32, #tpu.memory_space<hbm>>) target(%arg7 : memref<200x128xi32, #tpu.memory_space<vmem>>) target_semaphore(%run_scoped3A : memref<!tpu.dma_semaphore, #tpu.memory_space<semaphore_mem>>)
      %dma_wait3A_111 = arith.constant 0 : i32
      %dma_wait3A_112 = tpu.memref_slice %arg2[%dma_wait3A_111, %mul3A_2] : memref<200x4096xi32, #tpu.memory_space<hbm>> -> memref<200x128xi32, #tpu.memory_space<hbm>>
      %dma_wait3A_113 = arith.constant 0 : i32
      %dma_wait3A_114 = tpu.memref_slice %arg2[%dma_wait3A_113, %mul3A_2] : memref<200x4096xi32, #tpu.memory_space<hbm>> -> memref<200x128xi32, #tpu.memory_space<hbm>>
      tpu.wait_dma2 semaphore(%run_scoped3A : memref<!tpu.dma_semaphore, #tpu.memory_space<semaphore_mem>>) src(%dma_wait3A_114 : memref<200x128xi32, #tpu.memory_space<hbm>>) dst(%arg7 : memref<200x128xi32, #tpu.memory_space<vmem>>)
      tpu.yield
    }) : () -> ()
    %iota3A = tpu.iota {dimensions = array<i32: 0>} : vector<16xi32>
    %jit3A = arith.constant 8 : i32
    %eq3A = arith.constant 0 : i32
    %eq3A_3 = arith.cmpi eq, %jit3A, %eq3A : i32
    %jit3A_4 = arith.constant 1 : i32
    %select_n3A = arith.select %eq3A_3, %jit3A_4, %jit3A : i32
    %rem3A = vector.broadcast %select_n3A : i32 to vector<16xi32>
    %rem3A_5 = arith.remsi %iota3A, %rem3A : vector<16xi32>
    %ne3A = arith.constant 0 : i32
    %ne3A_6 = vector.broadcast %ne3A : i32 to vector<16xi32>
    %ne3A_7 = arith.cmpi ne, %rem3A_5, %ne3A_6 : vector<16xi32>
    %lt3A = arith.constant 0 : i32
    %lt3A_8 = vector.broadcast %lt3A : i32 to vector<16xi32>
    %lt3A_9 = arith.cmpi slt, %rem3A_5, %lt3A_8 : vector<16xi32>
    %lt3A_10 = arith.constant 0 : i32
    %lt3A_11 = arith.cmpi slt, %select_n3A, %lt3A_10 : i32
    %ne3A_12 = vector.broadcast %lt3A_11 : i1 to vector<16xi1>
    %ne3A_13 = vector.broadcast %ne3A_12 : vector<16xi1> to vector<16xi1>
    %ne3A_14 = arith.xori %lt3A_9, %ne3A_13 : vector<16xi1>
    %and3A = arith.andi %ne3A_14, %ne3A_7 : vector<16xi1>
    %add3A_15 = vector.broadcast %select_n3A : i32 to vector<16xi32>
    %add3A_16 = arith.addi %rem3A_5, %add3A_15 : vector<16xi32>
    %select_n3A_17 = arith.select %and3A, %add3A_16, %rem3A_5 : vector<16xi1>, vector<16xi32>
    %jit3A_18 = arith.constant 8 : i32
    %div3A = vector.broadcast %jit3A_18 : i32 to vector<16xi32>
    %div3A_19 = arith.divsi %iota3A, %div3A : vector<16xi32>
    %sign3A = arith.constant 0 : i32
    %sign3A_20 = vector.broadcast %sign3A : i32 to vector<16xi32>
    %sign3A_21 = arith.cmpi sgt, %iota3A, %sign3A_20 : vector<16xi32>
    %sign3A_22 = arith.extui %sign3A_21 : vector<16xi1> to vector<16xi32>
    %sign3A_23 = arith.constant 0 : i32
    %sign3A_24 = vector.broadcast %sign3A_23 : i32 to vector<16xi32>
    %sign3A_25 = arith.cmpi slt, %iota3A, %sign3A_24 : vector<16xi32>
    %sign3A_26 = arith.extui %sign3A_25 : vector<16xi1> to vector<16xi32>
    %sign3A_27 = arith.subi %sign3A_22, %sign3A_26 : vector<16xi32>
    %sign3A_28 = arith.constant 0 : i32
    %sign3A_29 = arith.cmpi sgt, %jit3A_18, %sign3A_28 : i32
    %sign3A_30 = arith.extui %sign3A_29 : i1 to i32
    %sign3A_31 = arith.constant 0 : i32
    %sign3A_32 = arith.cmpi slt, %jit3A_18, %sign3A_31 : i32
    %sign3A_33 = arith.extui %sign3A_32 : i1 to i32
    %sign3A_34 = arith.subi %sign3A_30, %sign3A_33 : i32
    %ne3A_35 = vector.broadcast %sign3A_34 : i32 to vector<16xi32>
    %ne3A_36 = arith.cmpi ne, %sign3A_27, %ne3A_35 : vector<16xi32>
    %rem3A_37 = vector.broadcast %jit3A_18 : i32 to vector<16xi32>
    %rem3A_38 = arith.remsi %iota3A, %rem3A_37 : vector<16xi32>
    %ne3A_39 = arith.constant 0 : i32
    %ne3A_40 = vector.broadcast %ne3A_39 : i32 to vector<16xi32>
    %ne3A_41 = arith.cmpi ne, %rem3A_38, %ne3A_40 : vector<16xi32>
    %and3A_42 = arith.andi %ne3A_36, %ne3A_41 : vector<16xi1>
    %sub3A = arith.constant 1 : i32
    %sub3A_43 = vector.broadcast %sub3A : i32 to vector<16xi32>
    %sub3A_44 = arith.subi %div3A_19, %sub3A_43 : vector<16xi32>
    %select_n3A_45 = arith.select %and3A_42, %sub3A_44, %div3A_19 : vector<16xi1>, vector<16xi32>
    %add3A_46 = arith.constant 0 : i32
    %add3A_47 = vector.broadcast %add3A_46 : i32 to vector<16xi32>
    %add3A_48 = arith.addi %select_n3A_45, %add3A_47 : vector<16xi32>
    %add3A_49 = arith.constant 2 : i32
    %add3A_50 = vector.broadcast %add3A_49 : i32 to vector<16xi32>
    %add3A_51 = arith.addi %select_n3A_45, %add3A_50 : vector<16xi32>
    %add3A_52 = arith.constant 4 : i32
    %add3A_53 = vector.broadcast %add3A_52 : i32 to vector<16xi32>
    %add3A_54 = arith.addi %select_n3A_45, %add3A_53 : vector<16xi32>
    %add3A_55 = arith.constant 6 : i32
    %add3A_56 = vector.broadcast %add3A_55 : i32 to vector<16xi32>
    %add3A_57 = arith.addi %select_n3A_45, %add3A_56 : vector<16xi32>
    %dma_start3A = arith.constant 0 : i32
    %dma_start3A_58 = arith.constant 0 : i32
    %dma_start3A_59 = tpu.memref_slice %arg7[%dma_start3A, %dma_start3A_58] : memref<200x128xi32, #tpu.memory_space<vmem>> -> memref<1x128xi32, #tpu.memory_space<vmem>>
    %dma_start3A_60 = tpu.memref_squeeze %dma_start3A_59 : memref<1x128xi32, #tpu.memory_space<vmem>> -> memref<128xi32, #tpu.memory_space<vmem>>
    %dma_start3A_61 = arith.constant 0 : i32
    %dma_start3A_62 = arith.constant 0 : i32
    %dma_start3A_63 = tpu.memref_slice %arg3[%dma_start3A_61, %dma_start3A_62] : memref<1000000x128xf32, #tpu.memory_space<hbm>> -> memref<1000000x128xf32, #tpu.memory_space<hbm>>
    tpu.enqueue_indirect_dma source(%dma_start3A_63 : memref<1000000x128xf32, #tpu.memory_space<hbm>>) target(%arg8 : memref<128x128xf32, #tpu.memory_space<vmem>>) offsets(%dma_start3A_60 : memref<128xi32, #tpu.memory_space<vmem>>) semaphore(%arg12 : memref<!tpu.dma_semaphore, #tpu.memory_space<semaphore_mem>>)
    %scan3A = arith.constant 0 : i32
    %scan3A_64 = arith.constant 100 : i32
    %scan3A_65 = arith.addi %scan3A, %scan3A_64 : i32
    %scan3A_66 = arith.constant 1 : i32
    scf.for %scan3A_107 = %scan3A to %scan3A_65 step %scan3A_66  : i32 {
      %mul3A_108 = arith.constant 2 : i32
      %mul3A_109 = arith.muli %scan3A_107, %mul3A_108 : i32
      %add3A_110 = arith.constant 0 : i32
      %add3A_111 = arith.addi %mul3A_109, %add3A_110 : i32
      %gt3A = arith.constant 0 : i32
      %gt3A_112 = arith.cmpi sgt, %scan3A_107, %gt3A : i32
      %convert_element_type3A = arith.extui %gt3A_112 : i1 to i32
      %cond3A = arith.constant 0 : i32
      %cond3A_113 = arith.cmpi ne, %convert_element_type3A, %cond3A : i32
      scf.if %cond3A_113 {
        %dma_wait3A_209 = arith.constant 0 : i32
        %dma_wait3A_210 = arith.constant 0 : i32
        %dma_wait3A_211 = arith.constant 0 : i32
        %dma_wait3A_212 = arith.constant 0 : i32
        %dma_wait3A_213 = arith.constant 0 : i32
        %dma_wait3A_214 = tpu.memref_slice %arg11[%dma_wait3A_211, %dma_wait3A_212, %dma_wait3A_213] : memref<8x8x131xf32, #tpu.memory_space<vmem>> -> memref<8x8x128xf32, #tpu.memory_space<vmem>>
        %dma_wait3A_215 = arith.constant 0 : i32
        %dma_wait3A_216 = arith.constant 0 : i32
        %dma_wait3A_217 = arith.constant 0 : i32
        %dma_wait3A_218 = tpu.memref_slice %arg5[%dma_wait3A_209, %dma_wait3A_215, %dma_wait3A_210, %dma_wait3A_216, %dma_wait3A_217] : memref<200x8x32x8x128xf32, #tpu.memory_space<hbm>> -> memref<1x8x1x8x128xf32, #tpu.memory_space<hbm>>
        %dma_wait3A_219 = tpu.memref_squeeze %dma_wait3A_218 : memref<1x8x1x8x128xf32, #tpu.memory_space<hbm>> -> memref<8x8x128xf32, #tpu.memory_space<hbm>>
        %dma_wait3A_220 = arith.constant 0 : i32
        %dma_wait3A_221 = arith.constant 0 : i32
        %dma_wait3A_222 = arith.constant 0 : i32
        %dma_wait3A_223 = tpu.memref_slice %arg11[%dma_wait3A_220, %dma_wait3A_221, %dma_wait3A_222] : memref<8x8x131xf32, #tpu.memory_space<vmem>> -> memref<8x8x128xf32, #tpu.memory_space<vmem>>
        %dma_wait3A_224 = arith.constant 0 : i32
        %dma_wait3A_225 = arith.constant 0 : i32
        %dma_wait3A_226 = arith.constant 0 : i32
        %dma_wait3A_227 = tpu.memref_slice %arg5[%dma_wait3A_209, %dma_wait3A_224, %dma_wait3A_210, %dma_wait3A_225, %dma_wait3A_226] : memref<200x8x32x8x128xf32, #tpu.memory_space<hbm>> -> memref<1x8x1x8x128xf32, #tpu.memory_space<hbm>>
        %dma_wait3A_228 = tpu.memref_squeeze %dma_wait3A_227 : memref<1x8x1x8x128xf32, #tpu.memory_space<hbm>> -> memref<8x8x128xf32, #tpu.memory_space<hbm>>
        tpu.wait_dma2 semaphore(%arg15 : memref<!tpu.dma_semaphore, #tpu.memory_space<semaphore_mem>>) src(%dma_wait3A_228 : memref<8x8x128xf32, #tpu.memory_space<hbm>>) dst(%dma_wait3A_223 : memref<8x8x128xf32, #tpu.memory_space<vmem>>)
      } else {
      }
      %add3A_114 = arith.constant 2 : i32
      %add3A_115 = arith.addi %add3A_111, %add3A_114 : i32
      %sub3A_116 = arith.constant 1 : i32
      %sub3A_117 = arith.subi %add3A_115, %sub3A_116 : i32
      %dma_start3A_118 = arith.constant 0 : i32
      %dma_start3A_119 = tpu.memref_slice %arg7[%sub3A_117, %dma_start3A_118] : memref<200x128xi32, #tpu.memory_space<vmem>> -> memref<1x128xi32, #tpu.memory_space<vmem>>
      %dma_start3A_120 = tpu.memref_squeeze %dma_start3A_119 : memref<1x128xi32, #tpu.memory_space<vmem>> -> memref<128xi32, #tpu.memory_space<vmem>>
      %dma_start3A_121 = arith.constant 0 : i32
      %dma_start3A_122 = arith.constant 0 : i32
      %dma_start3A_123 = tpu.memref_slice %arg3[%dma_start3A_121, %dma_start3A_122] : memref<1000000x128xf32, #tpu.memory_space<hbm>> -> memref<1000000x128xf32, #tpu.memory_space<hbm>>
      tpu.enqueue_indirect_dma source(%dma_start3A_123 : memref<1000000x128xf32, #tpu.memory_space<hbm>>) target(%arg9 : memref<128x128xf32, #tpu.memory_space<vmem>>) offsets(%dma_start3A_120 : memref<128xi32, #tpu.memory_space<vmem>>) semaphore(%arg13 : memref<!tpu.dma_semaphore, #tpu.memory_space<semaphore_mem>>)
      %dma_wait3A_124 = arith.constant 0 : i32
      %dma_wait3A_125 = arith.constant 0 : i32
      %dma_wait3A_126 = tpu.memref_slice %arg3[%dma_wait3A_124, %dma_wait3A_125] : memref<1000000x128xf32, #tpu.memory_space<hbm>> -> memref<128x128xf32, #tpu.memory_space<hbm>>
      %dma_wait3A_127 = arith.constant 0 : i32
      %dma_wait3A_128 = arith.constant 0 : i32
      %dma_wait3A_129 = tpu.memref_slice %arg3[%dma_wait3A_127, %dma_wait3A_128] : memref<1000000x128xf32, #tpu.memory_space<hbm>> -> memref<128x128xf32, #tpu.memory_space<hbm>>
      tpu.wait_dma2 semaphore(%arg12 : memref<!tpu.dma_semaphore, #tpu.memory_space<semaphore_mem>>) src(%dma_wait3A_129 : memref<128x128xf32, #tpu.memory_space<hbm>>) dst(%arg8 : memref<128x128xf32, #tpu.memory_space<vmem>>)
      %get3A = arith.index_cast %add3A_111 : i32 to index
      %get3A_130 = arith.constant 0 : index
      %get3A_131 = tpu.vector_load %arg6[%get3A, %get3A_130] {strides = array<i32>} : memref<200x64xf32, #tpu.memory_space<vmem>>, vector<16xf32>,
      %get3A_132 = arith.index_cast %add3A_111 : i32 to index
      %get3A_133 = arith.constant 16 : index
      %get3A_134 = tpu.vector_load %arg6[%get3A_132, %get3A_133] {strides = array<i32>} : memref<200x64xf32, #tpu.memory_space<vmem>>, vector<16xf32>,
      %get3A_135 = arith.index_cast %add3A_111 : i32 to index
      %get3A_136 = arith.constant 32 : index
      %get3A_137 = tpu.vector_load %arg6[%get3A_135, %get3A_136] {strides = array<i32>} : memref<200x64xf32, #tpu.memory_space<vmem>>, vector<16xf32>,
      %get3A_138 = arith.index_cast %add3A_111 : i32 to index
      %get3A_139 = arith.constant 48 : index
      %get3A_140 = tpu.vector_load %arg6[%get3A_138, %get3A_139] {strides = array<i32>} : memref<200x64xf32, #tpu.memory_space<vmem>>, vector<16xf32>,
      %parallel_loop3A = arith.constant 0 : i32
      %parallel_loop3A_141 = arith.constant 128 : i32
      %parallel_loop3A_142 = arith.constant 1 : i32
      scf.for %parallel_loop3A_209 = %parallel_loop3A to %parallel_loop3A_141 step %parallel_loop3A_142  : i32 {
        %parallel_loop3A_210 = arith.constant 0 : i32
        %parallel_loop3A_211 = vector.broadcast %parallel_loop3A_210 : i32 to vector<16xi32>
        %parallel_loop3A_212 = vector.broadcast %parallel_loop3A_209 : i32 to vector<16xi32>
        %parallel_loop3A_213 = arith.addi %parallel_loop3A_211, %parallel_loop3A_212 : vector<16xi32>
        %parallel_loop3A_214 = arith.index_cast %parallel_loop3A_209 : i32 to index
        %parallel_loop3A_215 = arith.constant 0 : index
        %parallel_loop3A_216 = tpu.vector_load %arg8[%parallel_loop3A_214, %parallel_loop3A_215] {strides = array<i32>} : memref<128x128xf32, #tpu.memory_space<vmem>>, vector<16xf32>,
        %parallel_loop3A_217 = arith.constant 8.000000e+00 : f32
        %parallel_loop3A_218 = vector.broadcast %parallel_loop3A_217 : f32 to vector<16xf32>
        %parallel_loop3A_219 = arith.mulf %parallel_loop3A_216, %parallel_loop3A_218 : vector<16xf32>
        %parallel_loop3A_220 = arith.addf %parallel_loop3A_219, %get3A_131 : vector<16xf32>
        tpu.vector_store_idx %arg10[%add3A_48, %select_n3A_17, %parallel_loop3A_213], %parallel_loop3A_220 : memref<8x8x131xf32, #tpu.memory_space<vmem>>[vector<16xi32>, vector<16xi32>, vector<16xi32>], vector<16xf32>,
        %parallel_loop3A_221 = arith.index_cast %parallel_loop3A_209 : i32 to index
        %parallel_loop3A_222 = arith.constant 16 : index
        %parallel_loop3A_223 = tpu.vector_load %arg8[%parallel_loop3A_221, %parallel_loop3A_222] {strides = array<i32>} : memref<128x128xf32, #tpu.memory_space<vmem>>, vector<16xf32>,
        %parallel_loop3A_224 = arith.constant 8.000000e+00 : f32
        %parallel_loop3A_225 = vector.broadcast %parallel_loop3A_224 : f32 to vector<16xf32>
        %parallel_loop3A_226 = arith.mulf %parallel_loop3A_223, %parallel_loop3A_225 : vector<16xf32>
        %parallel_loop3A_227 = arith.addf %parallel_loop3A_226, %get3A_134 : vector<16xf32>
        tpu.vector_store_idx %arg10[%add3A_51, %select_n3A_17, %parallel_loop3A_213], %parallel_loop3A_227 : memref<8x8x131xf32, #tpu.memory_space<vmem>>[vector<16xi32>, vector<16xi32>, vector<16xi32>], vector<16xf32>,
        %parallel_loop3A_228 = arith.index_cast %parallel_loop3A_209 : i32 to index
        %parallel_loop3A_229 = arith.constant 32 : index
        %parallel_loop3A_230 = tpu.vector_load %arg8[%parallel_loop3A_228, %parallel_loop3A_229] {strides = array<i32>} : memref<128x128xf32, #tpu.memory_space<vmem>>, vector<16xf32>,
        %parallel_loop3A_231 = arith.constant 8.000000e+00 : f32
        %parallel_loop3A_232 = vector.broadcast %parallel_loop3A_231 : f32 to vector<16xf32>
        %parallel_loop3A_233 = arith.mulf %parallel_loop3A_230, %parallel_loop3A_232 : vector<16xf32>
        %parallel_loop3A_234 = arith.addf %parallel_loop3A_233, %get3A_137 : vector<16xf32>
        tpu.vector_store_idx %arg10[%add3A_54, %select_n3A_17, %parallel_loop3A_213], %parallel_loop3A_234 : memref<8x8x131xf32, #tpu.memory_space<vmem>>[vector<16xi32>, vector<16xi32>, vector<16xi32>], vector<16xf32>,
        %parallel_loop3A_235 = arith.index_cast %parallel_loop3A_209 : i32 to index
        %parallel_loop3A_236 = arith.constant 48 : index
        %parallel_loop3A_237 = tpu.vector_load %arg8[%parallel_loop3A_235, %parallel_loop3A_236] {strides = array<i32>} : memref<128x128xf32, #tpu.memory_space<vmem>>, vector<16xf32>,
        %parallel_loop3A_238 = arith.constant 8.000000e+00 : f32
        %parallel_loop3A_239 = vector.broadcast %parallel_loop3A_238 : f32 to vector<16xf32>
        %parallel_loop3A_240 = arith.mulf %parallel_loop3A_237, %parallel_loop3A_239 : vector<16xf32>
        %parallel_loop3A_241 = arith.addf %parallel_loop3A_240, %get3A_140 : vector<16xf32>
        tpu.vector_store_idx %arg10[%add3A_57, %select_n3A_17, %parallel_loop3A_213], %parallel_loop3A_241 : memref<8x8x131xf32, #tpu.memory_space<vmem>>[vector<16xi32>, vector<16xi32>, vector<16xi32>], vector<16xf32>,
      } {sc.loop_unroll_factor = 4 : i64, sc.parallel_access}
      %dma_start3A_143 = arith.constant 0 : i32
      %dma_start3A_144 = arith.constant 0 : i32
      %dma_start3A_145 = arith.constant 0 : i32
      %dma_start3A_146 = tpu.memref_slice %arg10[%dma_start3A_143, %dma_start3A_144, %dma_start3A_145] : memref<8x8x131xf32, #tpu.memory_space<vmem>> -> memref<8x8x128xf32, #tpu.memory_space<vmem>>
      %dma_start3A_147 = arith.constant 0 : i32
      %dma_start3A_148 = arith.constant 0 : i32
      %dma_start3A_149 = arith.constant 0 : i32
      %dma_start3A_150 = tpu.memref_slice %arg5[%add3A_111, %dma_start3A_147, %add3A, %dma_start3A_148, %dma_start3A_149] : memref<200x8x32x8x128xf32, #tpu.memory_space<hbm>> -> memref<1x8x1x8x128xf32, #tpu.memory_space<hbm>>
      %dma_start3A_151 = tpu.memref_squeeze %dma_start3A_150 : memref<1x8x1x8x128xf32, #tpu.memory_space<hbm>> -> memref<8x8x128xf32, #tpu.memory_space<hbm>>
      %dma_start3A_152 = arith.constant 0 : i32
      %dma_start3A_153 = arith.constant 0 : i32
      %dma_start3A_154 = arith.constant 0 : i32
      %dma_start3A_155 = tpu.memref_slice %arg5[%add3A_111, %dma_start3A_152, %add3A, %dma_start3A_153, %dma_start3A_154] : memref<200x8x32x8x128xf32, #tpu.memory_space<hbm>> -> memref<1x8x1x8x128xf32, #tpu.memory_space<hbm>>
      %dma_start3A_156 = tpu.memref_squeeze %dma_start3A_155 : memref<1x8x1x8x128xf32, #tpu.memory_space<hbm>> -> memref<8x8x128xf32, #tpu.memory_space<hbm>>
      %dma_start3A_157 = arith.constant 0 : i32
      %dma_start3A_158 = arith.constant 0 : i32
      %dma_start3A_159 = arith.constant 0 : i32
      %dma_start3A_160 = tpu.memref_slice %arg10[%dma_start3A_157, %dma_start3A_158, %dma_start3A_159] : memref<8x8x131xf32, #tpu.memory_space<vmem>> -> memref<8x8x128xf32, #tpu.memory_space<vmem>>
      tpu.enqueue_dma source(%dma_start3A_160 : memref<8x8x128xf32, #tpu.memory_space<vmem>>) target(%dma_start3A_156 : memref<8x8x128xf32, #tpu.memory_space<hbm>>) target_semaphore(%arg14 : memref<!tpu.dma_semaphore, #tpu.memory_space<semaphore_mem>>)
      %mul3A_161 = arith.constant 2 : i32
      %mul3A_162 = arith.muli %scan3A_107, %mul3A_161 : i32
      %add3A_163 = arith.constant 1 : i32
      %add3A_164 = arith.addi %mul3A_162, %add3A_163 : i32
      %lt3A_165 = arith.constant 99 : i32
      %lt3A_166 = arith.cmpi slt, %scan3A_107, %lt3A_165 : i32
      %convert_element_type3A_167 = arith.extui %lt3A_166 : i1 to i32
      %cond3A_168 = arith.constant 0 : i32
      %cond3A_169 = arith.cmpi ne, %convert_element_type3A_167, %cond3A_168 : i32
      scf.if %cond3A_169 {
        %dma_wait3A_209 = arith.constant 0 : i32
        %dma_wait3A_210 = arith.constant 0 : i32
        %dma_wait3A_211 = arith.constant 0 : i32
        %dma_wait3A_212 = arith.constant 0 : i32
        %dma_wait3A_213 = arith.constant 0 : i32
        %dma_wait3A_214 = tpu.memref_slice %arg10[%dma_wait3A_211, %dma_wait3A_212, %dma_wait3A_213] : memref<8x8x131xf32, #tpu.memory_space<vmem>> -> memref<8x8x128xf32, #tpu.memory_space<vmem>>
        %dma_wait3A_215 = arith.constant 0 : i32
        %dma_wait3A_216 = arith.constant 0 : i32
        %dma_wait3A_217 = arith.constant 0 : i32
        %dma_wait3A_218 = tpu.memref_slice %arg5[%dma_wait3A_209, %dma_wait3A_215, %dma_wait3A_210, %dma_wait3A_216, %dma_wait3A_217] : memref<200x8x32x8x128xf32, #tpu.memory_space<hbm>> -> memref<1x8x1x8x128xf32, #tpu.memory_space<hbm>>
        %dma_wait3A_219 = tpu.memref_squeeze %dma_wait3A_218 : memref<1x8x1x8x128xf32, #tpu.memory_space<hbm>> -> memref<8x8x128xf32, #tpu.memory_space<hbm>>
        %dma_wait3A_220 = arith.constant 0 : i32
        %dma_wait3A_221 = arith.constant 0 : i32
        %dma_wait3A_222 = arith.constant 0 : i32
        %dma_wait3A_223 = tpu.memref_slice %arg10[%dma_wait3A_220, %dma_wait3A_221, %dma_wait3A_222] : memref<8x8x131xf32, #tpu.memory_space<vmem>> -> memref<8x8x128xf32, #tpu.memory_space<vmem>>
        %dma_wait3A_224 = arith.constant 0 : i32
        %dma_wait3A_225 = arith.constant 0 : i32
        %dma_wait3A_226 = arith.constant 0 : i32
        %dma_wait3A_227 = tpu.memref_slice %arg5[%dma_wait3A_209, %dma_wait3A_224, %dma_wait3A_210, %dma_wait3A_225, %dma_wait3A_226] : memref<200x8x32x8x128xf32, #tpu.memory_space<hbm>> -> memref<1x8x1x8x128xf32, #tpu.memory_space<hbm>>
        %dma_wait3A_228 = tpu.memref_squeeze %dma_wait3A_227 : memref<1x8x1x8x128xf32, #tpu.memory_space<hbm>> -> memref<8x8x128xf32, #tpu.memory_space<hbm>>
        tpu.wait_dma2 semaphore(%arg14 : memref<!tpu.dma_semaphore, #tpu.memory_space<semaphore_mem>>) src(%dma_wait3A_228 : memref<8x8x128xf32, #tpu.memory_space<hbm>>) dst(%dma_wait3A_223 : memref<8x8x128xf32, #tpu.memory_space<vmem>>)
        %add3A_229 = arith.constant 2 : i32
        %add3A_230 = arith.addi %add3A_164, %add3A_229 : i32
        %sub3A_231 = arith.constant 1 : i32
        %sub3A_232 = arith.subi %add3A_230, %sub3A_231 : i32
        %dma_start3A_233 = arith.constant 0 : i32
        %dma_start3A_234 = tpu.memref_slice %arg7[%sub3A_232, %dma_start3A_233] : memref<200x128xi32, #tpu.memory_space<vmem>> -> memref<1x128xi32, #tpu.memory_space<vmem>>
        %dma_start3A_235 = tpu.memref_squeeze %dma_start3A_234 : memref<1x128xi32, #tpu.memory_space<vmem>> -> memref<128xi32, #tpu.memory_space<vmem>>
        %dma_start3A_236 = arith.constant 0 : i32
        %dma_start3A_237 = arith.constant 0 : i32
        %dma_start3A_238 = tpu.memref_slice %arg3[%dma_start3A_236, %dma_start3A_237] : memref<1000000x128xf32, #tpu.memory_space<hbm>> -> memref<1000000x128xf32, #tpu.memory_space<hbm>>
        tpu.enqueue_indirect_dma source(%dma_start3A_238 : memref<1000000x128xf32, #tpu.memory_space<hbm>>) target(%arg8 : memref<128x128xf32, #tpu.memory_space<vmem>>) offsets(%dma_start3A_235 : memref<128xi32, #tpu.memory_space<vmem>>) semaphore(%arg12 : memref<!tpu.dma_semaphore, #tpu.memory_space<semaphore_mem>>)
      } else {
      }
      %dma_wait3A_170 = arith.constant 0 : i32
      %dma_wait3A_171 = arith.constant 0 : i32
      %dma_wait3A_172 = tpu.memref_slice %arg3[%dma_wait3A_170, %dma_wait3A_171] : memref<1000000x128xf32, #tpu.memory_space<hbm>> -> memref<128x128xf32, #tpu.memory_space<hbm>>
      %dma_wait3A_173 = arith.constant 0 : i32
      %dma_wait3A_174 = arith.constant 0 : i32
      %dma_wait3A_175 = tpu.memref_slice %arg3[%dma_wait3A_173, %dma_wait3A_174] : memref<1000000x128xf32, #tpu.memory_space<hbm>> -> memref<128x128xf32, #tpu.memory_space<hbm>>
      tpu.wait_dma2 semaphore(%arg13 : memref<!tpu.dma_semaphore, #tpu.memory_space<semaphore_mem>>) src(%dma_wait3A_175 : memref<128x128xf32, #tpu.memory_space<hbm>>) dst(%arg9 : memref<128x128xf32, #tpu.memory_space<vmem>>)
      %get3A_176 = arith.index_cast %add3A_164 : i32 to index
      %get3A_177 = arith.constant 0 : index
      %get3A_178 = tpu.vector_load %arg6[%get3A_176, %get3A_177] {strides = array<i32>} : memref<200x64xf32, #tpu.memory_space<vmem>>, vector<16xf32>,
      %get3A_179 = arith.index_cast %add3A_164 : i32 to index
      %get3A_180 = arith.constant 16 : index
      %get3A_181 = tpu.vector_load %arg6[%get3A_179, %get3A_180] {strides = array<i32>} : memref<200x64xf32, #tpu.memory_space<vmem>>, vector<16xf32>,
      %get3A_182 = arith.index_cast %add3A_164 : i32 to index
      %get3A_183 = arith.constant 32 : index
      %get3A_184 = tpu.vector_load %arg6[%get3A_182, %get3A_183] {strides = array<i32>} : memref<200x64xf32, #tpu.memory_space<vmem>>, vector<16xf32>,
      %get3A_185 = arith.index_cast %add3A_164 : i32 to index
      %get3A_186 = arith.constant 48 : index
      %get3A_187 = tpu.vector_load %arg6[%get3A_185, %get3A_186] {strides = array<i32>} : memref<200x64xf32, #tpu.memory_space<vmem>>, vector<16xf32>,
      %parallel_loop3A_188 = arith.constant 0 : i32
      %parallel_loop3A_189 = arith.constant 128 : i32
      %parallel_loop3A_190 = arith.constant 1 : i32
      scf.for %parallel_loop3A_209 = %parallel_loop3A_188 to %parallel_loop3A_189 step %parallel_loop3A_190  : i32 {
        %parallel_loop3A_210 = arith.constant 0 : i32
        %parallel_loop3A_211 = vector.broadcast %parallel_loop3A_210 : i32 to vector<16xi32>
        %parallel_loop3A_212 = vector.broadcast %parallel_loop3A_209 : i32 to vector<16xi32>
        %parallel_loop3A_213 = arith.addi %parallel_loop3A_211, %parallel_loop3A_212 : vector<16xi32>
        %parallel_loop3A_214 = arith.index_cast %parallel_loop3A_209 : i32 to index
        %parallel_loop3A_215 = arith.constant 0 : index
        %parallel_loop3A_216 = tpu.vector_load %arg9[%parallel_loop3A_214, %parallel_loop3A_215] {strides = array<i32>} : memref<128x128xf32, #tpu.memory_space<vmem>>, vector<16xf32>,
        %parallel_loop3A_217 = arith.constant 8.000000e+00 : f32
        %parallel_loop3A_218 = vector.broadcast %parallel_loop3A_217 : f32 to vector<16xf32>
        %parallel_loop3A_219 = arith.mulf %parallel_loop3A_216, %parallel_loop3A_218 : vector<16xf32>
        %parallel_loop3A_220 = arith.addf %parallel_loop3A_219, %get3A_178 : vector<16xf32>
        tpu.vector_store_idx %arg11[%add3A_48, %select_n3A_17, %parallel_loop3A_213], %parallel_loop3A_220 : memref<8x8x131xf32, #tpu.memory_space<vmem>>[vector<16xi32>, vector<16xi32>, vector<16xi32>], vector<16xf32>,
        %parallel_loop3A_221 = arith.index_cast %parallel_loop3A_209 : i32 to index
        %parallel_loop3A_222 = arith.constant 16 : index
        %parallel_loop3A_223 = tpu.vector_load %arg9[%parallel_loop3A_221, %parallel_loop3A_222] {strides = array<i32>} : memref<128x128xf32, #tpu.memory_space<vmem>>, vector<16xf32>,
        %parallel_loop3A_224 = arith.constant 8.000000e+00 : f32
        %parallel_loop3A_225 = vector.broadcast %parallel_loop3A_224 : f32 to vector<16xf32>
        %parallel_loop3A_226 = arith.mulf %parallel_loop3A_223, %parallel_loop3A_225 : vector<16xf32>
        %parallel_loop3A_227 = arith.addf %parallel_loop3A_226, %get3A_181 : vector<16xf32>
        tpu.vector_store_idx %arg11[%add3A_51, %select_n3A_17, %parallel_loop3A_213], %parallel_loop3A_227 : memref<8x8x131xf32, #tpu.memory_space<vmem>>[vector<16xi32>, vector<16xi32>, vector<16xi32>], vector<16xf32>,
        %parallel_loop3A_228 = arith.index_cast %parallel_loop3A_209 : i32 to index
        %parallel_loop3A_229 = arith.constant 32 : index
        %parallel_loop3A_230 = tpu.vector_load %arg9[%parallel_loop3A_228, %parallel_loop3A_229] {strides = array<i32>} : memref<128x128xf32, #tpu.memory_space<vmem>>, vector<16xf32>,
        %parallel_loop3A_231 = arith.constant 8.000000e+00 : f32
        %parallel_loop3A_232 = vector.broadcast %parallel_loop3A_231 : f32 to vector<16xf32>
        %parallel_loop3A_233 = arith.mulf %parallel_loop3A_230, %parallel_loop3A_232 : vector<16xf32>
        %parallel_loop3A_234 = arith.addf %parallel_loop3A_233, %get3A_184 : vector<16xf32>
        tpu.vector_store_idx %arg11[%add3A_54, %select_n3A_17, %parallel_loop3A_213], %parallel_loop3A_234 : memref<8x8x131xf32, #tpu.memory_space<vmem>>[vector<16xi32>, vector<16xi32>, vector<16xi32>], vector<16xf32>,
        %parallel_loop3A_235 = arith.index_cast %parallel_loop3A_209 : i32 to index
        %parallel_loop3A_236 = arith.constant 48 : index
        %parallel_loop3A_237 = tpu.vector_load %arg9[%parallel_loop3A_235, %parallel_loop3A_236] {strides = array<i32>} : memref<128x128xf32, #tpu.memory_space<vmem>>, vector<16xf32>,
        %parallel_loop3A_238 = arith.constant 8.000000e+00 : f32
        %parallel_loop3A_239 = vector.broadcast %parallel_loop3A_238 : f32 to vector<16xf32>
        %parallel_loop3A_240 = arith.mulf %parallel_loop3A_237, %parallel_loop3A_239 : vector<16xf32>
        %parallel_loop3A_241 = arith.addf %parallel_loop3A_240, %get3A_187 : vector<16xf32>
        tpu.vector_store_idx %arg11[%add3A_57, %select_n3A_17, %parallel_loop3A_213], %parallel_loop3A_241 : memref<8x8x131xf32, #tpu.memory_space<vmem>>[vector<16xi32>, vector<16xi32>, vector<16xi32>], vector<16xf32>,
      } {sc.loop_unroll_factor = 4 : i64, sc.parallel_access}
      %dma_start3A_191 = arith.constant 0 : i32
      %dma_start3A_192 = arith.constant 0 : i32
      %dma_start3A_193 = arith.constant 0 : i32
      %dma_start3A_194 = tpu.memref_slice %arg11[%dma_start3A_191, %dma_start3A_192, %dma_start3A_193] : memref<8x8x131xf32, #tpu.memory_space<vmem>> -> memref<8x8x128xf32, #tpu.memory_space<vmem>>
      %dma_start3A_195 = arith.constant 0 : i32
      %dma_start3A_196 = arith.constant 0 : i32
      %dma_start3A_197 = arith.constant 0 : i32
      %dma_start3A_198 = tpu.memref_slice %arg5[%add3A_164, %dma_start3A_195, %add3A, %dma_start3A_196, %dma_start3A_197] : memref<200x8x32x8x128xf32, #tpu.memory_space<hbm>> -> memref<1x8x1x8x128xf32, #tpu.memory_space<hbm>>
      %dma_start3A_199 = tpu.memref_squeeze %dma_start3A_198 : memref<1x8x1x8x128xf32, #tpu.memory_space<hbm>> -> memref<8x8x128xf32, #tpu.memory_space<hbm>>
      %dma_start3A_200 = arith.constant 0 : i32
      %dma_start3A_201 = arith.constant 0 : i32
      %dma_start3A_202 = arith.constant 0 : i32
      %dma_start3A_203 = tpu.memref_slice %arg5[%add3A_164, %dma_start3A_200, %add3A, %dma_start3A_201, %dma_start3A_202] : memref<200x8x32x8x128xf32, #tpu.memory_space<hbm>> -> memref<1x8x1x8x128xf32, #tpu.memory_space<hbm>>
      %dma_start3A_204 = tpu.memref_squeeze %dma_start3A_203 : memref<1x8x1x8x128xf32, #tpu.memory_space<hbm>> -> memref<8x8x128xf32, #tpu.memory_space<hbm>>
      %dma_start3A_205 = arith.constant 0 : i32
      %dma_start3A_206 = arith.constant 0 : i32
      %dma_start3A_207 = arith.constant 0 : i32
      %dma_start3A_208 = tpu.memref_slice %arg11[%dma_start3A_205, %dma_start3A_206, %dma_start3A_207] : memref<8x8x131xf32, #tpu.memory_space<vmem>> -> memref<8x8x128xf32, #tpu.memory_space<vmem>>
      tpu.enqueue_dma source(%dma_start3A_208 : memref<8x8x128xf32, #tpu.memory_space<vmem>>) target(%dma_start3A_204 : memref<8x8x128xf32, #tpu.memory_space<hbm>>) target_semaphore(%arg15 : memref<!tpu.dma_semaphore, #tpu.memory_space<semaphore_mem>>)
    }
    %scan3A_67 = arith.constant 100 : i32
    %dma_wait3A = arith.constant 0 : i32
    %dma_wait3A_68 = arith.constant 0 : i32
    %dma_wait3A_69 = arith.constant 0 : i32
    %dma_wait3A_70 = arith.constant 0 : i32
    %dma_wait3A_71 = arith.constant 0 : i32
    %dma_wait3A_72 = tpu.memref_slice %arg10[%dma_wait3A_69, %dma_wait3A_70, %dma_wait3A_71] : memref<8x8x131xf32, #tpu.memory_space<vmem>> -> memref<8x8x128xf32, #tpu.memory_space<vmem>>
    %dma_wait3A_73 = arith.constant 0 : i32
    %dma_wait3A_74 = arith.constant 0 : i32
    %dma_wait3A_75 = arith.constant 0 : i32
    %dma_wait3A_76 = tpu.memref_slice %arg5[%dma_wait3A, %dma_wait3A_73, %dma_wait3A_68, %dma_wait3A_74, %dma_wait3A_75] : memref<200x8x32x8x128xf32, #tpu.memory_space<hbm>> -> memref<1x8x1x8x128xf32, #tpu.memory_space<hbm>>
    %dma_wait3A_77 = tpu.memref_squeeze %dma_wait3A_76 : memref<1x8x1x8x128xf32, #tpu.memory_space<hbm>> -> memref<8x8x128xf32, #tpu.memory_space<hbm>>
    %dma_wait3A_78 = arith.constant 0 : i32
    %dma_wait3A_79 = arith.constant 0 : i32
    %dma_wait3A_80 = arith.constant 0 : i32
    %dma_wait3A_81 = tpu.memref_slice %arg10[%dma_wait3A_78, %dma_wait3A_79, %dma_wait3A_80] : memref<8x8x131xf32, #tpu.memory_space<vmem>> -> memref<8x8x128xf32, #tpu.memory_space<vmem>>
    %dma_wait3A_82 = arith.constant 0 : i32
    %dma_wait3A_83 = arith.constant 0 : i32
    %dma_wait3A_84 = arith.constant 0 : i32
    %dma_wait3A_85 = tpu.memref_slice %arg5[%dma_wait3A, %dma_wait3A_82, %dma_wait3A_68, %dma_wait3A_83, %dma_wait3A_84] : memref<200x8x32x8x128xf32, #tpu.memory_space<hbm>> -> memref<1x8x1x8x128xf32, #tpu.memory_space<hbm>>
    %dma_wait3A_86 = tpu.memref_squeeze %dma_wait3A_85 : memref<1x8x1x8x128xf32, #tpu.memory_space<hbm>> -> memref<8x8x128xf32, #tpu.memory_space<hbm>>
    tpu.wait_dma2 semaphore(%arg14 : memref<!tpu.dma_semaphore, #tpu.memory_space<semaphore_mem>>) src(%dma_wait3A_86 : memref<8x8x128xf32, #tpu.memory_space<hbm>>) dst(%dma_wait3A_81 : memref<8x8x128xf32, #tpu.memory_space<vmem>>)
    %dma_wait3A_87 = arith.constant 0 : i32
    %dma_wait3A_88 = arith.constant 0 : i32
    %dma_wait3A_89 = arith.constant 0 : i32
    %dma_wait3A_90 = arith.constant 0 : i32
    %dma_wait3A_91 = arith.constant 0 : i32
    %dma_wait3A_92 = tpu.memref_slice %arg11[%dma_wait3A_89, %dma_wait3A_90, %dma_wait3A_91] : memref<8x8x131xf32, #tpu.memory_space<vmem>> -> memref<8x8x128xf32, #tpu.memory_space<vmem>>
    %dma_wait3A_93 = arith.constant 0 : i32
    %dma_wait3A_94 = arith.constant 0 : i32
    %dma_wait3A_95 = arith.constant 0 : i32
    %dma_wait3A_96 = tpu.memref_slice %arg5[%dma_wait3A_87, %dma_wait3A_93, %dma_wait3A_88, %dma_wait3A_94, %dma_wait3A_95] : memref<200x8x32x8x128xf32, #tpu.memory_space<hbm>> -> memref<1x8x1x8x128xf32, #tpu.memory_space<hbm>>
    %dma_wait3A_97 = tpu.memref_squeeze %dma_wait3A_96 : memref<1x8x1x8x128xf32, #tpu.memory_space<hbm>> -> memref<8x8x128xf32, #tpu.memory_space<hbm>>
    %dma_wait3A_98 = arith.constant 0 : i32
    %dma_wait3A_99 = arith.constant 0 : i32
    %dma_wait3A_100 = arith.constant 0 : i32
    %dma_wait3A_101 = tpu.memref_slice %arg11[%dma_wait3A_98, %dma_wait3A_99, %dma_wait3A_100] : memref<8x8x131xf32, #tpu.memory_space<vmem>> -> memref<8x8x128xf32, #tpu.memory_space<vmem>>
    %dma_wait3A_102 = arith.constant 0 : i32
    %dma_wait3A_103 = arith.constant 0 : i32
    %dma_wait3A_104 = arith.constant 0 : i32
    %dma_wait3A_105 = tpu.memref_slice %arg5[%dma_wait3A_87, %dma_wait3A_102, %dma_wait3A_88, %dma_wait3A_103, %dma_wait3A_104] : memref<200x8x32x8x128xf32, #tpu.memory_space<hbm>> -> memref<1x8x1x8x128xf32, #tpu.memory_space<hbm>>
    %dma_wait3A_106 = tpu.memref_squeeze %dma_wait3A_105 : memref<1x8x1x8x128xf32, #tpu.memory_space<hbm>> -> memref<8x8x128xf32, #tpu.memory_space<hbm>>
    tpu.wait_dma2 semaphore(%arg15 : memref<!tpu.dma_semaphore, #tpu.memory_space<semaphore_mem>>) src(%dma_wait3A_106 : memref<8x8x128xf32, #tpu.memory_space<hbm>>) dst(%dma_wait3A_101 : memref<8x8x128xf32, #tpu.memory_space<vmem>>)
    return
  }
}

module attributes {stable_mosaic.version = 14 : i64} {
  func.func @_pe_kernel(%arg0: memref<200x64xf32, #tpu.memory_space<vmem>>) attributes {dimension_semantics = [], scalar_prefetch = 0 : i64, scratch_operands = 0 : i64, tpu.core_type = #tpu.core_type<tc>} {
    %iota3A = tpu.iota {dimensions = array<i32: 0>} : vector<200x64xi32>
    %convert_element_type3A = arith.sitofp %iota3A : vector<200x64xi32> to vector<200x64xf32>
    %iota3A_0 = tpu.iota {dimensions = array<i32: 1>} : vector<200x64xi32>
    %jit3A = arith.constant 2 : i32
    %eq3A = arith.constant 0 : i32
    %eq3A_1 = arith.cmpi eq, %jit3A, %eq3A : i32
    %jit3A_2 = arith.constant 1 : i32
    %select_n3A = arith.select %eq3A_1, %jit3A_2, %jit3A : i32
    %rem3A = vector.broadcast %select_n3A : i32 to vector<200x64xi32>
    %rem3A_3 = arith.remsi %iota3A_0, %rem3A : vector<200x64xi32>
    %ne3A = arith.constant 0 : i32
    %ne3A_4 = vector.broadcast %ne3A : i32 to vector<200x64xi32>
    %ne3A_5 = arith.cmpi ne, %rem3A_3, %ne3A_4 : vector<200x64xi32>
    %lt3A = arith.constant 0 : i32
    %lt3A_6 = vector.broadcast %lt3A : i32 to vector<200x64xi32>
    %lt3A_7 = arith.cmpi slt, %rem3A_3, %lt3A_6 : vector<200x64xi32>
    %lt3A_8 = arith.constant 0 : i32
    %lt3A_9 = arith.cmpi slt, %select_n3A, %lt3A_8 : i32
    %ne3A_10 = vector.broadcast %lt3A_9 : i1 to vector<200x64xi1>
    %ne3A_11 = vector.broadcast %ne3A_10 : vector<200x64xi1> to vector<200x64xi1>
    %ne3A_12 = arith.xori %lt3A_7, %ne3A_11 : vector<200x64xi1>
    %and3A = arith.andi %ne3A_12, %ne3A_5 : vector<200x64xi1>
    %add3A = vector.broadcast %select_n3A : i32 to vector<200x64xi32>
    %add3A_13 = arith.addi %rem3A_3, %add3A : vector<200x64xi32>
    %select_n3A_14 = arith.select %and3A, %add3A_13, %rem3A_3 : vector<200x64xi1>, vector<200x64xi32>
    %sub3A = arith.subi %iota3A_0, %select_n3A_14 : vector<200x64xi32>
    %convert_element_type3A_15 = arith.sitofp %sub3A : vector<200x64xi32> to vector<200x64xf32>
    %mul3A = arith.constant -0.14391157 : f32
    %mul3A_16 = vector.broadcast %mul3A : f32 to vector<200x64xf32>
    %mul3A_17 = arith.mulf %convert_element_type3A_15, %mul3A_16 : vector<200x64xf32>
    %exp3A = math.exp %mul3A_17 : vector<200x64xf32>
    %mul3A_18 = arith.mulf %convert_element_type3A, %exp3A : vector<200x64xf32>
    %jit3A_19 = arith.constant 2 : i32
    %eq3A_20 = arith.constant 0 : i32
    %eq3A_21 = arith.cmpi eq, %jit3A_19, %eq3A_20 : i32
    %jit3A_22 = arith.constant 1 : i32
    %select_n3A_23 = arith.select %eq3A_21, %jit3A_22, %jit3A_19 : i32
    %rem3A_24 = vector.broadcast %select_n3A_23 : i32 to vector<200x64xi32>
    %rem3A_25 = arith.remsi %iota3A_0, %rem3A_24 : vector<200x64xi32>
    %ne3A_26 = arith.constant 0 : i32
    %ne3A_27 = vector.broadcast %ne3A_26 : i32 to vector<200x64xi32>
    %ne3A_28 = arith.cmpi ne, %rem3A_25, %ne3A_27 : vector<200x64xi32>
    %lt3A_29 = arith.constant 0 : i32
    %lt3A_30 = vector.broadcast %lt3A_29 : i32 to vector<200x64xi32>
    %lt3A_31 = arith.cmpi slt, %rem3A_25, %lt3A_30 : vector<200x64xi32>
    %lt3A_32 = arith.constant 0 : i32
    %lt3A_33 = arith.cmpi slt, %select_n3A_23, %lt3A_32 : i32
    %ne3A_34 = vector.broadcast %lt3A_33 : i1 to vector<200x64xi1>
    %ne3A_35 = vector.broadcast %ne3A_34 : vector<200x64xi1> to vector<200x64xi1>
    %ne3A_36 = arith.xori %lt3A_31, %ne3A_35 : vector<200x64xi1>
    %and3A_37 = arith.andi %ne3A_36, %ne3A_28 : vector<200x64xi1>
    %add3A_38 = vector.broadcast %select_n3A_23 : i32 to vector<200x64xi32>
    %add3A_39 = arith.addi %rem3A_25, %add3A_38 : vector<200x64xi32>
    %select_n3A_40 = arith.select %and3A_37, %add3A_39, %rem3A_25 : vector<200x64xi1>, vector<200x64xi32>
    %eq3A_41 = arith.constant 0 : i32
    %eq3A_42 = vector.broadcast %eq3A_41 : i32 to vector<200x64xi32>
    %eq3A_43 = arith.cmpi eq, %select_n3A_40, %eq3A_42 : vector<200x64xi32>
    %sin3A = math.sin %mul3A_18 : vector<200x64xf32>
    %cos3A = math.cos %mul3A_18 : vector<200x64xf32>
    %select_n3A_44 = arith.select %eq3A_43, %sin3A, %cos3A : vector<200x64xi1>, vector<200x64xf32>
    %swap3A = arith.constant 0 : index
    %swap3A_45 = arith.constant 0 : index
    %swap3A_46 = vector.load %arg0[%swap3A, %swap3A_45] : memref<200x64xf32, #tpu.memory_space<vmem>>, vector<200x64xf32>
    tpu.vector_store %arg0[%swap3A, %swap3A_45], %select_n3A_44 {strides = array<i32>} : memref<200x64xf32, #tpu.memory_space<vmem>>, vector<200x64xf32>,
    return
  }
}

</mosaic_0001>

<sc_bundles>
// kernel: kernel.4.cloned.1.call-start
scs
__scs_entry_jumppad:
0x0: {  	(pc) =	sbr.rel $0x88, $3  }
0x1: {  	(tag) =	ssettag $0x0;
	lr =	simm.s32 $0x1  }
0x2: {  	[smem:$0x3F9F] =	sst lr;
	_ =	strace $0xD0000000  }
0x3: {  	_ = 	snop  }
0x4: {  	_ = 	snop  }
0x5: {  	_ = 	snop  }
0x6: {  	_ = 	snop  }
0x7: {  	_ = 	snop  }
__scs_overlays_trampoline_lowered:
0x8: {  	[smem:$0x3FAE] =	sst s0  }
0x9: {  	[smem:$0x3FAF] =	sst s1  }
0xa: {  	[smem:$0x3FB0] =	sst s2  }
0xb: {  	[smem:$0x3FB1] =	sst s3  }
0xc: {  	[smem:$0x3FB2] =	sst s4  }
0xd: {  	[smem:$0x3FB3] =	sst s5  }
0xe: {  	[smem:$0x3FB4] =	sst s6  }
0xf: {  	[smem:$0x3FB5] =	sst s7  }
0x10: {  	[smem:$0x3FB6] =	sst s8  }
0x11: {  	[smem:$0x3FB7] =	sst s9;
	s0 =	simm.s32 @!p0 $0x0  }
0x12: {  	s1 =	sld [smem:$0x3F9D];
	s0 =	simm.s32 @p0 $0x1  }
0x13: {  	[smem:$0x3FB8] =	sst s0;
	s0 =	simm.s32 @!p1 $0x0  }
0x14: {  	s2 =	sld [smem:$0x3F9C];
	s0 =	simm.s32 @p1 $0x1  }
0x15: {  	[smem:$0x3FB9] =	sst s0;
	s0 =	simm.s32 @!p2 $0x0  }
0x16: {  	s3 =	sld [smem:$0x3FDB];
	s0 =	simm.s32 @p2 $0x1  }
0x17: {  	s4 =	simm.s32 $0x1BF5;
	[smem:$0x3FBB] =	sst s0  }
0x18: {  	s0 =	sld [smem:$0x3F9E];
	_ =	swait.ge [sflag:s4], $0x0  }
0x19: {  	s7 =	sld [smem:$0x3F9F]  }
0x1a: {  	s8 =	sadd.s32 $0xFFFFE003, lr  }
0x1b: {  	s9 =	sadd.s32 $0xFFFFFEF7, lr;
	s5 =	simm.s32 $0xFFFFFFFF;
	p2 =	slt.u32 s8, $0xFFFFF086  }
0x1c: {  	p1 =	slt.u32 s9, $0xF7A;
	s5 =	simm.s32 @!p2 $0x0  }
0x1d: {  	s5 =	simm.s32 @p1 $0x1;
	p0 =	seq.s32 s7, s2  }
0x1e: {  	s7 =	smul.u32 @!p0 $0xF7A, s2;
	p2 =	seq.s32 @!p0 s5, $0x0  }
0x1f: {  	s9 =	smul.u32 $0xF7A, s1;
	s8 =	simm.s32 @!p0 $0x1BF5;
	p2 =	por !p2, p0  }
0x20: {  	[sflag:s8] =	ssyncset.s32 @!p0 $0xFFFFF086;
	s6 =	sadd.s32 @!p0 s3, s7;
	s7 =	simm.s32 @!p0 $0x108  }
0x21: {  	s3 =	sadd.s32 s3, s9;
	s6 =	sadd.s32 @!p0 $0x88, s6;
	s7 =	simm.s32 @p2 $0x1082  }
0x22: {  	[simem:s7], [sflag:s8] =	dma.local @!p0 [hbm:s6], $0xF7A  }
0x23: {  	s9 =	sor.u32 $0xD0000000, s2;
	s6 =	simm.s32 $0x108;
	_ =	swait.ge @!p0 [sflag:s8], $0x0  }
0x24: {  	s3 =	sadd.s32 $0x88, s3;
	s6 =	simm.s32 @!p1 $0x1082;
	[sflag:s4] =	ssyncset.s32 $0xFFFFF086  }
0x25: {  	[simem:s6], [sflag:s4] =	dma.local [hbm:s3], $0xF7A  }
0x26: {  	[smem:$0x3F9F] =	sst s1;
	(tag) =	ssettag s2;
	_ =	strace s9  }
0x27: {  	s1 =	sld [smem:$0x3FAF]  }
0x28: {  	s2 =	sld [smem:$0x3FB0]  }
0x29: {  	s4 =	sld [smem:$0x3FB2]  }
0x2a: {  	p0 =	seq.s32 s5, $0x0;
	s5 =	sld [smem:$0x3FB3]  }
0x2b: {  	s6 =	sld [smem:$0x3FB4]  }
0x2c: {  	s7 =	sld [smem:$0x3FB5]  }
0x2d: {  	s3 =	simm.s32 $0x108;
	s8 =	sld [smem:$0x3FB6]  }
0x2e: {  	s3 =	simm.s32 @!p0 $0x1082;
	s9 =	sld [smem:$0x3FB7]  }
0x2f: {  	lr =	sadd.s32 s0, s3;
	s0 =	sld [smem:$0x3FAE]  }
0x30: {  	s3 =	sld [smem:$0x3FB1]  }
0x31: {  	[smem:$0x3FBA] =	sst s10  }
0x32: {  	s10 =	sld [smem:$0x3FB8];
	_ =	sdelay $0x3  }
0x33: {  	p0 =	seq.s32 s10, $0x1;
	s10 =	sld [smem:$0x3FBA];
	_ =	sdelay $0x3  }
0x34: {  	[smem:$0x3FBA] =	sst s10  }
0x35: {  	s10 =	sld [smem:$0x3FB9];
	_ =	sdelay $0x3  }
0x36: {  	p1 =	seq.s32 s10, $0x1;
	s10 =	sld [smem:$0x3FBA];
	_ =	sdelay $0x3  }
0x37: {  	[smem:$0x3FBA] =	sst s10  }
0x38: {  	s10 =	sld [smem:$0x3FBB]  }
0x39: {  	_ = 	snop;
	(pc) =	sbr.ind lr, $3  }
0x3a: {  	_ = 	snop  }
0x3b: {  	_ = 	snop  }
0x3c: {  	p2 =	seq.s32 s10, $0x1;
	s10 =	sld [smem:$0x3FBA]  }
0x3d: {  	_ =	shalt  }
0x3e: {  	_ =	shalt  }
0x3f: {  	_ =	shalt  }
0x40: {  	_ =	shalt  }
0x41: {  	_ =	shalt  }
0x42: {  	_ =	shalt  }
0x43: {  	_ =	shalt  }
0x44: {  	_ =	shalt  }
0x45: {  	_ =	shalt  }
0x46: {  	_ =	shalt  }
0x47: {  	_ =	shalt  }
0x48: {  	_ =	shalt  }
0x49: {  	_ =	shalt  }
0x4a: {  	_ =	shalt  }
0x4b: {  	_ =	shalt  }
0x4c: {  	_ =	shalt  }
0x4d: {  	_ =	shalt  }
0x4e: {  	_ =	shalt  }
0x4f: {  	_ =	shalt  }
0x50: {  	_ =	shalt  }
0x51: {  	_ =	shalt  }
0x52: {  	_ =	shalt  }
0x53: {  	_ =	shalt  }
0x54: {  	_ =	shalt  }
0x55: {  	_ =	shalt  }
0x56: {  	_ =	shalt  }
0x57: {  	_ =	shalt  }
0x58: {  	_ =	shalt  }
0x59: {  	_ =	shalt  }
0x5a: {  	_ =	shalt  }
0x5b: {  	_ =	shalt  }
0x5c: {  	_ =	shalt  }
0x5d: {  	_ =	shalt  }
0x5e: {  	_ =	shalt  }
0x5f: {  	_ =	shalt  }
0x60: {  	_ =	shalt  }
0x61: {  	_ =	shalt  }
0x62: {  	_ =	shalt  }
0x63: {  	_ =	shalt  }
0x64: {  	_ =	shalt  }
0x65: {  	_ =	shalt  }
0x66: {  	_ =	shalt  }
0x67: {  	_ =	shalt  }
0x68: {  	_ =	shalt  }
0x69: {  	_ =	shalt  }
0x6a: {  	_ =	shalt  }
0x6b: {  	_ =	shalt  }
0x6c: {  	_ =	shalt  }
0x6d: {  	_ =	shalt  }
0x6e: {  	_ =	shalt  }
0x6f: {  	_ =	shalt  }
0x70: {  	_ =	shalt  }
0x71: {  	_ =	shalt  }
0x72: {  	_ =	shalt  }
0x73: {  	_ =	shalt  }
0x74: {  	_ =	shalt  }
0x75: {  	_ =	shalt  }
0x76: {  	_ =	shalt  }
0x77: {  	_ =	shalt  }
0x78: {  	_ =	shalt  }
0x79: {  	_ =	shalt  }
0x7a: {  	_ =	shalt  }
0x7b: {  	_ =	shalt  }
0x7c: {  	_ =	shalt  }
0x7d: {  	_ =	shalt  }
0x7e: {  	_ =	shalt  }
0x7f: {  	_ =	shalt  }
0x80: {  	_ =	shalt  }
0x81: {  	_ =	shalt  }
0x82: {  	_ =	shalt  }
0x83: {  	_ =	shalt  }
0x84: {  	_ =	shalt  }
0x85: {  	_ =	shalt  }
0x86: {  	_ =	shalt  }
0x87: {  	_ =	shalt  }
.Lfunc_end0:
.L_simem_size_0:
called_computation_lowered:
.L_overlay_start_0:
0x88: {  	s2 =	sld [smem:$0x3FD9]  }
0x89: {  	s3 =	sld [smem:$0x3FFE];
	_ =	sdelay $0x1  }
0x8a: {  	s1 =	srdreg.scid  }
0x8b: {  	s0 =	sand.u32 $0x1, s1  }
0x8c: {  	s17 =	sshll.u32 s0, $0xA;
	s2 =	sadd.s32 s3, s2  }
0x8d: {  	s2 =	sadd.s32 s2, s17  }
0x8e: {  	[smem:$0x3FC6] =	sst s2  }
0x8f: {  	_ = 	snop  }
0x90: {  	s2 =	sld [smem:$0x3FD0];
	(tm) =	ssettm $0x1  }
0x91: {  	s18 =	sld [smem:$0x3FFB];
	_ =	sdelay $0x3  }
0x92: {  	_ =	strace s18  }
0x93: {  	s3 =	sld [smem:$0x3FFC];
	_ =	sdelay $0x3  }
0x94: {  	_ =	strace s3  }
0x95: {  	s3 =	sld [smem:$0x3FFD];
	_ =	sdelay $0x3  }
0x96: {  	_ =	strace s3  }
0x97: {  	_ =	strace $0x8FFFFFFF  }
0x98: {  	s19 =	sld [smem:$0x3FDB];
	_ =	sdelay $0x1  }
0x99: {  	s4 =	simm.s32 $_scs_section_size  }
0x9a: {  	s5 =	simm.s32 $_size__tile_overlayer_lowered;
	s6 =	simm.s32 $_tile_overlayer_lowered  }
0x9b: {  	s22 =	simm.s32 $0x1BFF;
	s21 =	sshll.u32 s6, $0x1;
	s3 =	sadd.s32 s4, s19  }
0x9c: {  	s7 =	simm.s32 $0x0;
	s20 =	sshll.u32 s5, $0x1;
	s5 =	sadd.s32 s21, s3  }
0x9d: {  	[timem:s7], [sflag:s22] =	dma.local [hbm:s5], s20  }
0x9e: {  	_ =	swait.ge [sflag:s22], s20  }
0x9f: {  	s4 =	ssub.s32 $0x0, s20;
	[sflag:s22] =	ssyncset.done $0x0  }
0xa0: {  	[sflag:s22] =	ssyncadd.s32 s4;
	_ =	sdelay $0x1  }
0xa1: {  	s23 =	simm.s32 $0x1B8B  }
0xa2: {  	_ =	swait.ge [sflag:s23], $0x1  }
0xa3: {  	[sflag:s23] =	ssyncset.done $0x0  }
0xa4: {  	s25 =	simm.s32 $0x1B8E;
	s24 =	sld [smem:$0x3FFE];
	[sflag:s23] =	ssyncadd.s32 $0xFFFFFFFF  }
0xa5: {  	s26 =	simm.s32 $execute0_lowered;
	[smem:$0x3FD2] =	sst s25  }
0xa6: {  	s5 =	sshll.u32 s26, $0x1;
	_ =	strace $0x80000046;
	[dreg:$0x1] =	wrdreg $0xFFFFFFFF  }
0xa7: {  	s28 =	simm.s32 $_size_execute0_lowered;
	s3 =	sadd.s32 s3, s5;
	[dreg:$0x0] =	wrdreg $0x0  }
0xa8: {  	s5 =	sshll.u32 s28, $0x1;
	[dreg:$0x2] =	wrdreg s3  }
0xa9: {  	[dreg:$0x3] =	wrdreg s5  }
0xaa: {  	[dreg:$0x4] =	wrdreg $0xC0  }
0xab: {  	_ =	task [dreg:s7], $0x5FFFF  }
0xac: {  	[dreg:$0x1] =	wrdreg $0xFFFFFFFF  }
0xad: {  	[dreg:$0x0] =	wrdreg $0x60  }
0xae: {  	[dreg:$0x2] =	wrdreg s24  }
0xaf: {  	[dreg:$0x3] =	wrdreg s2  }
0xb0: {  	[dreg:$0x4] =	wrdreg $0x9  }
0xb1: {  	_ =	task.clear_ibuf [dreg:s7], $0x5FFFF;
	_ =	strace $0x90000046  }
0xb2: {  	s29 =	simm.s32 $0x9;
	_ =	strace $0x80000048  }
0xb3: {  	_ =	swait.ge [sflag:s29], $0x1  }
0xb4: {  	[sflag:s29] =	ssyncadd.s32 $0xFFFFFFFF  }
0xb5: {  	_ =	strace $0x90000048  }
0xb6: {  	_ =	sfence  }
0xb7: {  	s30 =	sld [smem:$0x0];
	_ =	sdelay $0x2  }
0xb8: {  	s31 =	sshll.u32 s1, $0xD;
	s1 =	sshrl.u32 s1, $0x2  }
0xb9: {  	s3 =	sand.u32 $0x4000, s31;
	s1 =	sadd.s32 s1, s30  }
0xba: {  	s0 =	sor.u32 s3, s0;
	s1 =	sshll.u32 s1, $0x11  }
0xbb: {  	s0 =	sor.u32 s1, s0  }
0xbc: {  	s0 =	sadd.s32 $0x8F2B, s0  }
0xbd: {  	[sflag:s0] =	ssyncadd.remote.s32 $0x1  }
0xbe: {  	_ =	sfence.sel $0xFFFF  }
0xbf: {  	[dreg:$0x0] =	wrdreg $0xFFFFFFFF;
	(pc) =	sbr.abs _section_cstart, $3  }
0xc0: {  	[dreg:$0x1] =	wrdreg $0xFFFFFFFF  }
0xc1: {  	_ =	task.clear_ibuf [dreg:s7], $0x2FFFF;
	_ =	strace $0x9FFFFFFF  }
0xc2: {  	(tm) =	ssettm $0x7FFFFFFF  }
0xc3: {  	_ =	shalt  }
tec
execute0_lowered:
.L_overlay_start_1:
0x0: {  	(tag) =	ssettag $0x1  }
0x1: {  	s5 =	rddreg [dreg:$0x0]  }
0x2: {  	s2 =	rddreg [dreg:$0x1]  }
0x3: {  	s0 =	rddreg [dreg:$0x2];
	s4 =	srdreg.scid  }
0x4: {  	s1 =	stileid.u32;
	s3 =	simm.s32 $0x0;
	s10 =	simm.s32 $0x80  }
0x5: {  	s11 =	simm.s32 $0x1000;
	s12 =	simm.s32 $0x3200;
	s13 =	simm.s32 $0x9600  }
0x6: {  	s14 =	simm.s32 $0xD600;
	s15 =	simm.s32 $0x1;
	s16 =	simm.s32 $0x11600  }
0x7: {  	s17 =	simm.s32 $0x2;
	s18 =	simm.s32 $0x13800;
	s19 =	simm.s32 $0x3  }
0x8: {  	s20 =	simm.s32 $0x4;
	s4 =	sand.u32 $0x1, s4;
	s6 =	sshll.u32 s1, $0x1  }
0x9: {  	s21 =	simm.s32 $0x0;
	[smem:$0x7FF] =	sst s3;
	s7 =	sor.u32 s4, s6  }
0xa: {  	v0 =	vlaneseq.u32;
	_ =	strace $0x80000047;
	s8 =	ssub.s32 $0x2, s4;
	s4 =	sadd.s32 $0xF5C400, s5  }
0xb: {  	v0 =	vmul.u32 $0x88, v0;
	s6 =	sshll.u32 s7, $0x4;
	s9 =	sshrl.u32 s8, $0x1;
	s7 =	sshll.u32 s7, $0xA  }
0xc: {  	s6 =	sadd.s32 s6, s5;
	s5 =	sadd.s32 $0xF5BC00, s5;
	s8 =	ssub.s32 s8, s9  }
0xd: {  	v1 =	vadd.s32 $0x880, v0;
	v2 =	vadd.s32 $0x1100, v0;
	v3 =	vadd.s32 $0x1980, v0;
	s9 =	simm.s32 $0x5;
	s6 =	sadd.s32 $0xF42C00, s6;
	s8 =	smax.u32 s8, $0x1  }
.LBB2_1:
0xe: {  	[tilespmem:s3], [sflag:$0x5] =	stream.linear.gather [hbm4b:s5+s3], $0x3200, $0x38;
	[tilespmem:$0x15A00] =	vst v63  }
0xf: {  	_ =	swait.ge [sflag:s9], $0x3200  }
0x10: {  	[sflag:s9] =	ssyncset.done $0x0  }
0x11: {  	[sflag:s9] =	ssyncadd.s32 $0xFFFFCE00  }
0x12: {  	[tilespmem:s12], [sflag:$0x5] =	stream.strided.gather [hbm4b:s6+s10], $0x6400, s11, s10, $0x38;
	[tilespmem:$0x15A00] =	vst v63  }
0x13: {  	_ =	swait.ge [sflag:s9], $0x6400  }
0x14: {  	[sflag:s9] =	ssyncset.done $0x0  }
0x15: {  	s22 =	simm.s32 $0x0;
	[sflag:s9] =	ssyncadd.s32 $0xFFFF9C00  }
0x16: {  	[tilespmem:s13], [sflag:$0x1] =	stream.indirect.gather [hbm4b:s4+s10], $0x80, s12, s10, $0xb8;
	[tilespmem:$0x15A00] =	vst v63  }
.LBB2_2:
0x17: {  	s23 =	sshll.u32 s22, $0x1;
	p0 =	seq.s32 s22, $0x0  }
0x18: {  	s24 =	simm.s32 @!p0 $0x4;
	s23 =	sor.u32 $0x1, s23  }
0x19: {  	_ =	swait.ge @!p0 [sflag:s24], $0x2000;
	s25 =	sshll.u32 s23, $0x7  }
0x1a: {  	[sflag:s24] =	ssyncset.done @!p0 $0x0;
	s25 =	sand.u32 $0x3FFFFF80, s25  }
0x1b: {  	[sflag:s24] =	ssyncadd.s32 @!p0 $0xFFFFE000;
	s29 =	sadd.s32 $0x3200, s25  }
0x1c: {  	[tilespmem:s14], [sflag:$0x2] =	stream.indirect.gather [hbm4b:s4+s10], $0x80, s29, s10, $0xb8;
	[tilespmem:$0x15A00] =	vst v63  }
0x1d: {  	_ =	swait.ge [sflag:s15], $0x4000  }
0x1e: {  	[sflag:s15] =	ssyncset.done $0x0  }
0x1f: {  	s25 =	simm.s32 $0x9700;
	[sflag:s15] =	ssyncadd.s32 $0xFFFFC000  }
0x20: {  	s30 =	sshll.u32 s22, $0x7;
	v4 =	vld [tilespmem:s25+$0x80]  }
0x21: {  	s26 =	simm.s32 $0x3;
	s24 =	sand.u32 $0x3FFFFF80, s30  }
0x22: {  	v5 =	vmov s26;
	v10 =	vld [tilespmem:s24+$0x0]  }
0x23: {  	v15 =	vand.u32 $0x7F, v5  }
0x24: {  	v9 =	vadd.s32 v0, v15;
	v8 =	vld [tilespmem:s25+$0xFFFFFF00]  }
0x25: {  	s31 =	simm.s32 $0x0;
	v11 =	vld [tilespmem:s25+$0xFFFFFF80];
	v4 =	vmul.f32 $8.000000000e+00, v4  }
0x26: {  	v6 =	vmov s31;
	s29 =	simm.s32 $0x1;
	v12 =	vld [tilespmem:s25+$0x0]  }
0x27: {  	v14 =	vand.u32 $0x7C, v6;
	s30 =	simm.s32 $0x2;
	v6 =	vmov s29;
	v7 =	vld [tilespmem:s24+$0x10];
	v13 =	vadd.f32 v4, v10  }
0x28: {  	v16 =	vadd.s32 v0, v14;
	v17 =	vmov s30;
	v30 =	vand.u32 $0x7D, v6;
	v5 =	vld [tilespmem:s24+$0x20]  }
0x29: {  	v6 =	vand.u32 $0x7E, v17;
	v17 =	vadd.s32 v0, v30;
	v8 =	vmul.f32 $8.000000000e+00, v8;
	v4 =	vld [tilespmem:s24+$0x30];
	[tilespmem:v9+s16+$0x0] =	vst.idx.msk $0xffff, v13  }
0x2a: {  	v9 =	vmul.f32 $8.000000000e+00, v11;
	v11 =	vadd.s32 v0, v6;
	v13 =	vld [tilespmem:s25+$0x90]  }
0x2b: {  	v12 =	vmul.f32 $8.000000000e+00, v12;
	v8 =	vadd.f32 v8, v10  }
0x2c: {  	v9 =	vadd.f32 v9, v10  }
0x2d: {  	[tilespmem:v16+s16+$0x0] =	vst.idx.msk $0xffff, v8;
	v8 =	vadd.f32 v12, v10  }
0x2e: {  	v12 =	vld [tilespmem:s25+$0xFFFFFF10];
	[tilespmem:v17+s16+$0x0] =	vst.idx.msk $0xffff, v9;
	v9 =	vadd.s32 v1, v15  }
0x2f: {  	v16 =	vld [tilespmem:s25+$0xFFFFFF90];
	[tilespmem:v11+s16+$0x0] =	vst.idx.msk $0xffff, v8;
	v8 =	vmul.f32 $8.000000000e+00, v13  }
0x30: {  	s24 =	simm.s32 $0x9900;
	v11 =	vld [tilespmem:s25+$0x10]  }
0x31: {  	v19 =	vld [tilespmem:s24+$0x80];
	v8 =	vadd.f32 v8, v7  }
0x32: {  	s31 =	simm.s32 $0x4;
	v26 =	vadd.s32 v2, v15;
	v13 =	vadd.s32 v1, v14  }
0x33: {  	v18 =	vadd.s32 v1, v30;
	v17 =	vmov s31;
	v12 =	vmul.f32 $8.000000000e+00, v12;
	[tilespmem:v9+s16+$0x0] =	vst.idx.msk $0xffff, v8  }
0x34: {  	s29 =	simm.s32 $0x7;
	v8 =	vand.u32 $0x7C, v17;
	v9 =	vmul.f32 $8.000000000e+00, v16;
	v16 =	vadd.s32 v1, v6;
	v17 =	vld [tilespmem:s25+$0xA0]  }
0x35: {  	v21 =	vmov s29;
	v20 =	vld [tilespmem:s24+$0xFFFFFF00];
	v12 =	vadd.f32 v12, v7;
	v11 =	vmul.f32 $8.000000000e+00, v11  }
0x36: {  	v24 =	vld [tilespmem:s24+$0xFFFFFF80];
	v19 =	vmul.f32 $8.000000000e+00, v19;
	v23 =	vadd.f32 v9, v7;
	v9 =	vand.u32 $0x7F, v21  }
0x37: {  	s30 =	simm.s32 $0x5;
	[tilespmem:v13+s16+$0x0] =	vst.idx.msk $0xffff, v12;
	v12 =	vld [tilespmem:s24+$0x0];
	v11 =	vadd.f32 v11, v7;
	v25 =	vadd.s32 v0, v9  }
0x38: {  	s31 =	simm.s32 $0x6;
	v19 =	vadd.f32 v19, v10;
	v22 =	vadd.s32 v0, v8;
	v21 =	vmov s30;
	[tilespmem:v18+s16+$0x0] =	vst.idx.msk $0xffff, v23;
	v23 =	vld [tilespmem:s25+$0xFFFFFF20]  }
0x39: {  	v13 =	vand.u32 $0x7D, v21;
	v18 =	vmov s31;
	[tilespmem:v16+s16+$0x0] =	vst.idx.msk $0xffff, v11;
	v16 =	vld [tilespmem:s25+$0xFFFFFFA0];
	v17 =	vmul.f32 $8.000000000e+00, v17  }
0x3a: {  	v11 =	vand.u32 $0x7E, v18;
	v18 =	vmul.f32 $8.000000000e+00, v20;
	v20 =	vadd.s32 v0, v13;
	v21 =	vld [tilespmem:s25+$0x20]  }
0x3b: {  	v24 =	vmul.f32 $8.000000000e+00, v24;
	v27 =	vadd.s32 v0, v11;
	v17 =	vadd.f32 v17, v5  }
0x3c: {  	v12 =	vmul.f32 $8.000000000e+00, v12;
	v18 =	vadd.f32 v18, v10;
	[tilespmem:v25+s16+$0x0] =	vst.idx.msk $0xffff, v19;
	v19 =	vadd.s32 v2, v14  }
0x3d: {  	v24 =	vadd.f32 v24, v10;
	v25 =	vld [tilespmem:s24+$0x90];
	v23 =	vmul.f32 $8.000000000e+00, v23;
	[tilespmem:v26+s16+$0x0] =	vst.idx.msk $0xffff, v17;
	v17 =	vadd.s32 v2, v30  }
0x3e: {  	[tilespmem:v22+s16+$0x0] =	vst.idx.msk $0xffff, v18;
	v18 =	vadd.f32 v12, v10;
	v16 =	vmul.f32 $8.000000000e+00, v16;
	v26 =	vadd.s32 v2, v6;
	v22 =	vld [tilespmem:s25+$0xB0]  }
0x3f: {  	s26 =	simm.s32 $0x8;
	v28 =	vld [tilespmem:s24+$0xFFFFFF10];
	[tilespmem:v20+s16+$0x0] =	vst.idx.msk $0xffff, v24;
	v21 =	vmul.f32 $8.000000000e+00, v21;
	v23 =	vadd.f32 v23, v5  }
0x40: {  	v31 =	vadd.s32 v1, v9;
	v12 =	vmov s26;
	v24 =	vld [tilespmem:s24+$0xFFFFFF90];
	[tilespmem:v27+s16+$0x0] =	vst.idx.msk $0xffff, v18;
	v16 =	vadd.f32 v16, v5  }
0x41: {  	s28 =	simm.s32 $0x9;
	v14 =	vadd.s32 v3, v14;
	v12 =	vand.u32 $0x7C, v12;
	v27 =	vld [tilespmem:s24+$0x10];
	v29 =	vadd.f32 v21, v5;
	[tilespmem:v19+s16+$0x0] =	vst.idx.msk $0xffff, v23  }
0x42: {  	v20 =	vmov s28;
	v19 =	vadd.s32 v3, v15;
	v32 =	vmul.f32 $8.000000000e+00, v25;
	v21 =	vld [tilespmem:s25+$0xFFFFFF30];
	[tilespmem:v17+s16+$0x0] =	vst.idx.msk $0xffff, v16  }
0x43: {  	v18 =	vadd.s32 v0, v12;
	v25 =	vadd.s32 v1, v8;
	[tilespmem:v26+s16+$0x0] =	vst.idx.msk $0xffff, v29;
	v15 =	vmul.f32 $8.000000000e+00, v22;
	v17 =	vld [tilespmem:s25+$0xFFFFFFB0]  }
0x44: {  	v23 =	vadd.s32 v1, v13;
	v28 =	vmul.f32 $8.000000000e+00, v28;
	v32 =	vadd.f32 v32, v7;
	v16 =	vld [tilespmem:s25+$0x30]  }
0x45: {  	v26 =	vmul.f32 $8.000000000e+00, v24;
	v22 =	vadd.s32 v1, v11;
	s25 =	simm.s32 $0x9B00;
	v24 =	vadd.f32 v15, v4  }
0x46: {  	s28 =	simm.s32 $0xC;
	v29 =	vld [tilespmem:s25+$0x80];
	v28 =	vadd.f32 v28, v7;
	v27 =	vmul.f32 $8.000000000e+00, v27;
	[tilespmem:v31+s16+$0x0] =	vst.idx.msk $0xffff, v32;
	v15 =	vadd.s32 v3, v30  }
.LBB2_3:
0x47: {  	p0 =	slt.u32 s28, $0x7C;
	s29 =	sadd.s32 $0x3, s26;
	v26 =	vadd.f32 v26, v7;
	v30 =	vld [tilespmem:s24+$0xA0];
	v21 =	vmul.f32 $8.000000000e+00, v21;
	v31 =	vadd.s32 v3, v6;
	[tilespmem:v19+s16+$0x0] =	vst.idx.msk $0xffff, v24  }
0x48: {  	v32 =	vmovc v13;
	v6 =	vmovc v11;
	v19 =	vld [tilespmem:s25+$0xFFFFFF00];
	v24 =	vmov s29;
	[tilespmem:v25+s16+$0x0] =	vst.idx.msk $0xffff, v28;
	v25 =	vadd.f32 v27, v7;
	v17 =	vmul.f32 $8.000000000e+00, v17  }
0x49: {  	s29 =	sadd.s32 $0x2, s26;
	s26 =	smov.u32 s28;
	v27 =	vld [tilespmem:s25+$0xFFFFFF80];
	v24 =	vand.u32 $0x7F, v24;
	[tilespmem:v23+s16+$0x0] =	vst.idx.msk $0xffff, v26;
	v11 =	vadd.f32 v21, v4;
	v13 =	vmul.f32 $8.000000000e+00, v16  }
0x4a: {  	v16 =	vmov s29;
	v21 =	vld [tilespmem:s25+$0x0];
	v23 =	vadd.s32 v0, v24;
	[tilespmem:v22+s16+$0x0] =	vst.idx.msk $0xffff, v25;
	v17 =	vadd.f32 v17, v4  }
0x4b: {  	v26 =	vadd.s32 v2, v9;
	v22 =	vmul.f32 $8.000000000e+00, v29;
	v25 =	vld [tilespmem:s24+$0xFFFFFF20];
	[tilespmem:v14+s16+$0x0] =	vst.idx.msk $0xffff, v11;
	v14 =	vadd.f32 v13, v4  }
0x4c: {  	v13 =	vand.u32 $0x7D, v20;
	v11 =	vand.u32 $0x7E, v16;
	v16 =	vld [tilespmem:s24+$0xFFFFFFA0];
	v20 =	vmul.f32 $8.000000000e+00, v30;
	[tilespmem:v15+s16+$0x0] =	vst.idx.msk $0xffff, v17  }
0x4d: {  	v17 =	vadd.s32 v0, v13;
	v15 =	vmul.f32 $8.000000000e+00, v19;
	v19 =	vadd.f32 v22, v10;
	v22 =	vld [tilespmem:s24+$0x20];
	[tilespmem:v31+s16+$0x0] =	vst.idx.msk $0xffff, v14  }
0x4e: {  	v14 =	vmul.f32 $8.000000000e+00, v27;
	v27 =	vadd.s32 v0, v11;
	v20 =	vadd.f32 v20, v5  }
0x4f: {  	v15 =	vadd.f32 v15, v10;
	v21 =	vmul.f32 $8.000000000e+00, v21;
	[tilespmem:v23+s16+$0x0] =	vst.idx.msk $0xffff, v19;
	v19 =	vadd.s32 v2, v8  }
0x50: {  	v28 =	vadd.s32 v2, v32;
	v14 =	vadd.f32 v14, v10;
	v23 =	vld [tilespmem:s25+$0x90];
	v25 =	vmul.f32 $8.000000000e+00, v25;
	[tilespmem:v26+s16+$0x0] =	vst.idx.msk $0xffff, v20  }
0x51: {  	v26 =	vadd.s32 v2, v6;
	[tilespmem:v18+s16+$0x0] =	vst.idx.msk $0xffff, v15;
	v15 =	vadd.f32 v21, v10;
	v16 =	vmul.f32 $8.000000000e+00, v16;
	v29 =	vld [tilespmem:s24+$0xB0]  }
0x52: {  	v18 =	vmov s28;
	v30 =	vld [tilespmem:s25+$0xFFFFFF10];
	[tilespmem:v17+s16+$0x0] =	vst.idx.msk $0xffff, v14;
	v14 =	vadd.f32 v25, v5;
	v17 =	vmul.f32 $8.000000000e+00, v22  }
0x53: {  	s29 =	sadd.s32 $0x1, s28;
	v31 =	vand.u32 $0x7C, v18;
	v22 =	vld [tilespmem:s25+$0xFFFFFF90];
	[tilespmem:v27+s16+$0x0] =	vst.idx.msk $0xffff, v15;
	v15 =	vadd.f32 v16, v5  }
0x54: {  	v33 =	vadd.s32 v1, v24;
	v20 =	vmov s29;
	v27 =	vld [tilespmem:s25+$0x10];
	[tilespmem:v19+s16+$0x0] =	vst.idx.msk $0xffff, v14;
	v16 =	vadd.f32 v17, v5  }
.Ltmp0:
0x55: {  	v14 =	vadd.s32 v3, v8;
	v19 =	vadd.s32 v3, v9;
	v34 =	vmul.f32 $8.000000000e+00, v23;
	v21 =	vld [tilespmem:s24+$0xFFFFFF30];
	[tilespmem:v28+s16+$0x0] =	vst.idx.msk $0xffff, v15;
	(pc) =	sbr.rel @p0 .LBB2_3-.Ltmp0, $4  }
0x56: {  	v25 =	vadd.s32 v1, v12;
	v18 =	vadd.s32 v0, v31;
	v17 =	vld [tilespmem:s24+$0xFFFFFFB0];
	[tilespmem:v26+s16+$0x0] =	vst.idx.msk $0xffff, v16;
	v15 =	vmul.f32 $8.000000000e+00, v29  }
0x57: {  	v9 =	vmovc v24;
	v8 =	vmovc v12;
	v23 =	vadd.s32 v1, v13;
	v28 =	vmul.f32 $8.000000000e+00, v30;
	v30 =	vadd.f32 v34, v7;
	v16 =	vld [tilespmem:s24+$0x30];
	s24 =	smov.u32 s25  }
0x58: {  	v12 =	vmovc v31;
	s25 =	sadd.s32 $0x200, s25;
	v26 =	vmul.f32 $8.000000000e+00, v22;
	v22 =	vadd.s32 v1, v11;
	v24 =	vadd.f32 v15, v4  }
0x59: {  	s28 =	sadd.s32 $0x4, s28;
	v15 =	vadd.s32 v3, v32;
	v29 =	vld [tilespmem:s25+$0x80];
	v28 =	vadd.f32 v28, v7;
	v27 =	vmul.f32 $8.000000000e+00, v27;
	[tilespmem:v33+s16+$0x0] =	vst.idx.msk $0xffff, v30  }
0x5a: {  	s28 =	sadd.s32 $0x3, s26;
	v30 =	vld [tilespmem:s25+$0xFFFFFF00]  }
0x5b: {  	v32 =	vld [tilespmem:s25+$0xFFFFFF80];
	v31 =	vmov s28  }
0x5c: {  	v33 =	vld [tilespmem:s25+$0x0];
	v31 =	vand.u32 $0x7F, v31  }
0x5d: {  	s31 =	sadd.s32 $0x2, s26;
	v34 =	vadd.s32 v0, v31  }
0x5e: {  	v20 =	vand.u32 $0x7D, v20;
	v35 =	vmov s31;
	v29 =	vmul.f32 $8.000000000e+00, v29  }
0x5f: {  	v36 =	vadd.s32 v0, v20;
	v35 =	vand.u32 $0x7E, v35;
	v30 =	vmul.f32 $8.000000000e+00, v30  }
0x60: {  	v37 =	vadd.s32 v0, v35;
	v32 =	vmul.f32 $8.000000000e+00, v32;
	v29 =	vadd.f32 v29, v10  }
0x61: {  	v33 =	vmul.f32 $8.000000000e+00, v33;
	v30 =	vadd.f32 v30, v10  }
0x62: {  	v58 =	vadd.f32 v32, v10;
	[tilespmem:v34+s16+$0x0] =	vst.idx.msk $0xffff, v29  }
0x63: {  	v60 =	vadd.f32 v33, v10;
	[tilespmem:v18+s16+$0x0] =	vst.idx.msk $0xffff, v30;
	v59 =	vld [tilespmem:s25+$0x90]  }
0x64: {  	[tilespmem:v36+s16+$0x0] =	vst.idx.msk $0xffff, v58;
	v30 =	vld [tilespmem:s25+$0xFFFFFF10]  }
0x65: {  	[tilespmem:v37+s16+$0x0] =	vst.idx.msk $0xffff, v60;
	v29 =	vld [tilespmem:s25+$0xFFFFFF90]  }
0x66: {  	v10 =	vld [tilespmem:s25+$0x10]  }
0x67: {  	v61 =	vadd.s32 v1, v31  }
0x68: {  	v26 =	vadd.f32 v26, v7;
	v62 =	vadd.s32 v1, v12;
	v18 =	vmul.f32 $8.000000000e+00, v59  }
0x69: {  	v63 =	vld [tilespmem:s24+$0xA0];
	[tilespmem:v25+s16+$0x0] =	vst.idx.msk $0xffff, v28;
	v27 =	vadd.f32 v27, v7;
	v36 =	vadd.s32 v1, v20;
	v34 =	vmul.f32 $8.000000000e+00, v30  }
0x6a: {  	[tilespmem:v23+s16+$0x0] =	vst.idx.msk $0xffff, v26;
	v39 =	vadd.s32 v1, v35;
	v37 =	vld [tilespmem:s24+$0xFFFFFF20];
	v38 =	vmul.f32 $8.000000000e+00, v29;
	v18 =	vadd.f32 v18, v7  }
0x6b: {  	[tilespmem:v22+s16+$0x0] =	vst.idx.msk $0xffff, v27;
	v40 =	vld [tilespmem:s24+$0xFFFFFFA0];
	v10 =	vmul.f32 $8.000000000e+00, v10;
	v41 =	vadd.f32 v34, v7  }
0x6c: {  	v42 =	vld [tilespmem:s24+$0x20];
	v26 =	vadd.f32 v38, v7;
	[tilespmem:v61+s16+$0x0] =	vst.idx.msk $0xffff, v18  }
0x6d: {  	v21 =	vmul.f32 $8.000000000e+00, v21;
	v43 =	vadd.s32 v2, v9;
	v44 =	vadd.f32 v10, v7;
	[tilespmem:v62+s16+$0x0] =	vst.idx.msk $0xffff, v41;
	v45 =	vld [tilespmem:s25+$0xA0]  }
0x6e: {  	v46 =	vadd.s32 v2, v8;
	v25 =	vmul.f32 $8.000000000e+00, v63;
	[tilespmem:v36+s16+$0x0] =	vst.idx.msk $0xffff, v26;
	v47 =	vld [tilespmem:s25+$0xFFFFFF20]  }
0x6f: {  	v48 =	vadd.s32 v2, v13;
	v21 =	vadd.f32 v21, v4;
	v23 =	vmul.f32 $8.000000000e+00, v37;
	[tilespmem:v39+s16+$0x0] =	vst.idx.msk $0xffff, v44;
	v49 =	vld [tilespmem:s25+$0xFFFFFFA0]  }
0x70: {  	[tilespmem:v19+s16+$0x0] =	vst.idx.msk $0xffff, v24;
	v51 =	vadd.s32 v2, v11;
	v50 =	vadd.f32 v25, v5;
	v22 =	vmul.f32 $8.000000000e+00, v40;
	v52 =	vld [tilespmem:s25+$0x20]  }
0x71: {  	v54 =	vadd.s32 v2, v31;
	[tilespmem:v14+s16+$0x0] =	vst.idx.msk $0xffff, v21;
	v53 =	vadd.f32 v23, v5;
	v18 =	vmul.f32 $8.000000000e+00, v42  }
0x72: {  	v56 =	vadd.s32 v2, v12;
	[tilespmem:v43+s16+$0x0] =	vst.idx.msk $0xffff, v50;
	v55 =	vadd.f32 v22, v5;
	v10 =	vmul.f32 $8.000000000e+00, v45  }
0x73: {  	v60 =	vadd.s32 v2, v20;
	v57 =	vld [tilespmem:s24+$0xB0];
	[tilespmem:v46+s16+$0x0] =	vst.idx.msk $0xffff, v53;
	v58 =	vadd.f32 v18, v5;
	v59 =	vmul.f32 $8.000000000e+00, v47  }
0x74: {  	v32 =	vadd.s32 v2, v35;
	[tilespmem:v48+s16+$0x0] =	vst.idx.msk $0xffff, v55;
	v61 =	vld [tilespmem:s24+$0xFFFFFF30];
	v63 =	vmul.f32 $8.000000000e+00, v49;
	v62 =	vadd.f32 v10, v5  }
0x75: {  	v33 =	vld [tilespmem:s24+$0xFFFFFFB0];
	[tilespmem:v51+s16+$0x0] =	vst.idx.msk $0xffff, v58;
	v36 =	vmul.f32 $8.000000000e+00, v52;
	v34 =	vadd.f32 v59, v5  }
0x76: {  	v6 =	vadd.s32 v3, v6;
	v17 =	vmul.f32 $8.000000000e+00, v17;
	v24 =	vld [tilespmem:s24+$0x30];
	v37 =	vadd.f32 v63, v5;
	[tilespmem:v54+s16+$0x0] =	vst.idx.msk $0xffff, v62  }
0x77: {  	v38 =	vmul.f32 $8.000000000e+00, v16;
	v39 =	vadd.s32 v3, v9;
	v5 =	vadd.f32 v36, v5;
	v40 =	vld [tilespmem:s25+$0xB0];
	[tilespmem:v56+s16+$0x0] =	vst.idx.msk $0xffff, v34  }
0x78: {  	v43 =	vmul.f32 $8.000000000e+00, v57;
	v42 =	vadd.s32 v3, v8;
	v41 =	vadd.f32 v17, v4;
	[tilespmem:v60+s16+$0x0] =	vst.idx.msk $0xffff, v37;
	v44 =	vld [tilespmem:s25+$0xFFFFFF30]  }
0x79: {  	v46 =	vadd.s32 v3, v13;
	v45 =	vadd.f32 v38, v4;
	v47 =	vmul.f32 $8.000000000e+00, v61;
	[tilespmem:v32+s16+$0x0] =	vst.idx.msk $0xffff, v5;
	v48 =	vld [tilespmem:s25+$0xFFFFFFB0]  }
0x7a: {  	v50 =	vmul.f32 $8.000000000e+00, v33;
	[tilespmem:v15+s16+$0x0] =	vst.idx.msk $0xffff, v41;
	v49 =	vadd.s32 v3, v11;
	v5 =	vadd.f32 v43, v4;
	v51 =	vld [tilespmem:s25+$0x30]  }
0x7b: {  	[tilespmem:v6+s16+$0x0] =	vst.idx.msk $0xffff, v45;
	v52 =	vadd.f32 v47, v4;
	v53 =	vmul.f32 $8.000000000e+00, v24;
	v54 =	vadd.s32 v3, v31  }
0x7c: {  	v55 =	vadd.s32 v3, v12;
	[tilespmem:v39+s16+$0x0] =	vst.idx.msk $0xffff, v5;
	v5 =	vadd.f32 v50, v4;
	v56 =	vmul.f32 $8.000000000e+00, v40  }
0x7d: {  	v58 =	vadd.s32 v3, v20;
	[tilespmem:v42+s16+$0x0] =	vst.idx.msk $0xffff, v52;
	v57 =	vadd.f32 v53, v4;
	v59 =	vmul.f32 $8.000000000e+00, v44  }
0x7e: {  	v60 =	vadd.s32 v3, v35;
	[tilespmem:v46+s16+$0x0] =	vst.idx.msk $0xffff, v5;
	v61 =	vmul.f32 $8.000000000e+00, v48;
	v5 =	vadd.f32 v56, v4  }
0x7f: {  	[tilespmem:v49+s16+$0x0] =	vst.idx.msk $0xffff, v57;
	v63 =	vmul.f32 $8.000000000e+00, v51;
	v62 =	vadd.f32 v59, v4  }
0x80: {  	s25 =	sshll.u32 s22, $0x13;
	[tilespmem:v54+s16+$0x0] =	vst.idx.msk $0xffff, v5;
	v5 =	vadd.f32 v61, v4  }
0x81: {  	s24 =	sor.u32 s7, s25;
	v4 =	vadd.f32 v63, v4;
	[tilespmem:v55+s16+$0x0] =	vst.idx.msk $0xffff, v62  }
0x82: {  	s24 =	sshrl.u32 s24, $0x3;
	[tilespmem:v58+s16+$0x0] =	vst.idx.msk $0xffff, v5  }
0x83: {  	s26 =	simm.s32 $0x11600;
	s25 =	sadd.s32 s2, s24;
	[tilespmem:v60+s16+$0x0] =	vst.idx.msk $0xffff, v4  }
0x84: {  	[hbm4b:s25+s3] =	stream.linear.scatter [tilespmem:s26], [sflag:$0x3], $0x80, $0x38;
	[tilespmem:$0x15A00] =	vst v63  }
0x85: {  	s30 =	simm.s32 $0x11688;
	s31 =	sadd.s32 $0x10, s25  }
0x86: {  	[hbm4b:s31+s3] =	stream.linear.scatter [tilespmem:s30], [sflag:$0x3], $0x80, $0x38;
	[tilespmem:$0x15A00] =	vst v63  }
0x87: {  	s28 =	simm.s32 $0x119B8;
	s30 =	simm.s32 $0x11710;
	s31 =	sadd.s32 $0x20, s25  }
0x88: {  	[hbm4b:s31+s3] =	stream.linear.scatter [tilespmem:s30], [sflag:$0x3], $0x80, $0x38;
	[tilespmem:$0x15A00] =	vst v63  }
0x89: {  	s24 =	simm.s32 $0x440;
	s30 =	simm.s32 $0x11798;
	s31 =	sadd.s32 $0x30, s25  }
0x8a: {  	[hbm4b:s31+s3] =	stream.linear.scatter [tilespmem:s30], [sflag:$0x3], $0x80, $0x38;
	[tilespmem:$0x15A00] =	vst v63  }
0x8b: {  	s29 =	sadd.s32 $0x70, s25;
	s30 =	simm.s32 $0x11820;
	s31 =	sadd.s32 $0x40, s25  }
0x8c: {  	[hbm4b:s31+s3] =	stream.linear.scatter [tilespmem:s30], [sflag:$0x3], $0x80, $0x38;
	[tilespmem:$0x15A00] =	vst v63  }
0x8d: {  	s26 =	simm.s32 $0x2200;
	s30 =	simm.s32 $0x118A8;
	s31 =	sadd.s32 $0x50, s25  }
0x8e: {  	[hbm4b:s31+s3] =	stream.linear.scatter [tilespmem:s30], [sflag:$0x3], $0x80, $0x38;
	[tilespmem:$0x15A00] =	vst v63  }
0x8f: {  	s30 =	simm.s32 $0x11930;
	s31 =	sadd.s32 $0x60, s25;
	s25 =	sadd.s32 $0x1000, s25  }
0x90: {  	[hbm4b:s31+s3] =	stream.linear.scatter [tilespmem:s30], [sflag:$0x3], $0x80, $0x38;
	[tilespmem:$0x15A00] =	vst v63  }
.LBB2_5:
0x91: {  	[hbm4b:s29+s3] =	stream.linear.scatter [tilespmem:s28], [sflag:$0x3], $0x80, $0x38;
	[tilespmem:$0x15A00] =	vst v63  }
0x92: {  	s28 =	smov.u32 s24;
	s24 =	smov.u32 s26  }
0x93: {  	s30 =	sadd.s32 $0x1100, s26;
	s24 =	sshra.s32 s24, $0x2;
	s29 =	sadd.s32 $0x11600, s28  }
0x94: {  	[hbm4b:s25+s3] =	stream.linear.scatter [tilespmem:s29], [sflag:$0x3], $0x80, $0x38;
	[tilespmem:$0x15A00] =	vst v63  }
0x95: {  	p0 =	sne.s32 s26, $0x7700;
	s26 =	sadd.s32 $0x11688, s28;
	s29 =	sadd.s32 $0x10, s25  }
0x96: {  	[hbm4b:s29+s3] =	stream.linear.scatter [tilespmem:s26], [sflag:$0x3], $0x80, $0x38;
	[tilespmem:$0x15A00] =	vst v63  }
0x97: {  	s26 =	sadd.s32 $0x11710, s28;
	s29 =	sadd.s32 $0x20, s25  }
0x98: {  	[hbm4b:s29+s3] =	stream.linear.scatter [tilespmem:s26], [sflag:$0x3], $0x80, $0x38;
	[tilespmem:$0x15A00] =	vst v63  }
0x99: {  	s26 =	sadd.s32 $0x11798, s28;
	s29 =	sadd.s32 $0x30, s25  }
0x9a: {  	[hbm4b:s29+s3] =	stream.linear.scatter [tilespmem:s26], [sflag:$0x3], $0x80, $0x38;
	[tilespmem:$0x15A00] =	vst v63  }
0x9b: {  	s26 =	sadd.s32 $0x11820, s28;
	s29 =	sadd.s32 $0x40, s25  }
0x9c: {  	[hbm4b:s29+s3] =	stream.linear.scatter [tilespmem:s26], [sflag:$0x3], $0x80, $0x38;
	[tilespmem:$0x15A00] =	vst v63  }
.Ltmp1:
0x9d: {  	s26 =	sadd.s32 $0x118A8, s28;
	s29 =	sadd.s32 $0x50, s25;
	(pc) =	sbr.rel @p0 .LBB2_5-.Ltmp1, $4  }
0x9e: {  	[hbm4b:s29+s3] =	stream.linear.scatter [tilespmem:s26], [sflag:$0x3], $0x80, $0x38;
	[tilespmem:$0x15A00] =	vst v63  }
0x9f: {  	s26 =	sadd.s32 $0x11930, s28;
	s29 =	sadd.s32 $0x60, s25;
	s28 =	sadd.s32 $0x119B8, s28  }
0xa0: {  	[hbm4b:s29+s3] =	stream.linear.scatter [tilespmem:s26], [sflag:$0x3], $0x80, $0x38;
	[tilespmem:$0x15A00] =	vst v63  }
0xa1: {  	s29 =	sadd.s32 $0x70, s25;
	s25 =	sadd.s32 $0x1000, s25;
	s26 =	smov.u32 s30  }
0xa2: {  	[hbm4b:s29+s3] =	stream.linear.scatter [tilespmem:s28], [sflag:$0x3], $0x80, $0x38;
	[tilespmem:$0x15A00] =	vst v63  }
0xa3: {  	s26 =	sadd.s32 $0x11600, s24  }
0xa4: {  	[hbm4b:s25+s3] =	stream.linear.scatter [tilespmem:s26], [sflag:$0x3], $0x80, $0x38;
	[tilespmem:$0x15A00] =	vst v63  }
0xa5: {  	s31 =	sadd.s32 $0x11688, s24;
	s28 =	sadd.s32 $0x10, s25  }
0xa6: {  	[hbm4b:s28+s3] =	stream.linear.scatter [tilespmem:s31], [sflag:$0x3], $0x80, $0x38;
	[tilespmem:$0x15A00] =	vst v63  }
0xa7: {  	s29 =	sadd.s32 $0x11710, s24;
	s28 =	sadd.s32 $0x20, s25  }
0xa8: {  	[hbm4b:s28+s3] =	stream.linear.scatter [tilespmem:s29], [sflag:$0x3], $0x80, $0x38;
	[tilespmem:$0x15A00] =	vst v63  }
0xa9: {  	s30 =	sadd.s32 $0x11798, s24;
	s28 =	sadd.s32 $0x30, s25  }
0xaa: {  	[hbm4b:s28+s3] =	stream.linear.scatter [tilespmem:s30], [sflag:$0x3], $0x80, $0x38;
	[tilespmem:$0x15A00] =	vst v63  }
0xab: {  	s31 =	sadd.s32 $0x11820, s24;
	s28 =	sadd.s32 $0x40, s25  }
0xac: {  	[hbm4b:s28+s3] =	stream.linear.scatter [tilespmem:s31], [sflag:$0x3], $0x80, $0x38;
	[tilespmem:$0x15A00] =	vst v63  }
0xad: {  	s29 =	sadd.s32 $0x118A8, s24;
	s28 =	sadd.s32 $0x50, s25  }
0xae: {  	[hbm4b:s28+s3] =	stream.linear.scatter [tilespmem:s29], [sflag:$0x3], $0x80, $0x38;
	[tilespmem:$0x15A00] =	vst v63  }
0xaf: {  	p0 =	seq.s32 s22, $0x63;
	s30 =	sadd.s32 $0x11930, s24;
	s28 =	sadd.s32 $0x60, s25  }
0xb0: {  	[hbm4b:s28+s3] =	stream.linear.scatter [tilespmem:s30], [sflag:$0x3], $0x80, $0x38;
	[tilespmem:$0x15A00] =	vst v63  }
0xb1: {  	s26 =	sadd.s32 $0x70, s25;
	s31 =	sadd.s32 $0x119B8, s24;
	s24 =	simm.s32 @!p0 $0x3  }
0xb2: {  	[hbm4b:s26+s3] =	stream.linear.scatter [tilespmem:s31], [sflag:$0x3], $0x80, $0x38;
	[tilespmem:$0x15A00] =	vst v63  }
0xb3: {  	_ =	swait.ge @!p0 [sflag:s24], $0x2000  }
0xb4: {  	s25 =	sshll.u32 @!p0 s22, $0x8;
	[sflag:s24] =	ssyncset.done @!p0 $0x0  }
0xb5: {  	[sflag:s24] =	ssyncadd.s32 @!p0 $0xFFFFE000;
	s24 =	sand.u32 @!p0 $0x3FFFFF00, s25  }
0xb6: {  	s26 =	simm.s32 @!p0 $0x9600;
	s25 =	simm.s32 @!p0 $0x80;
	s24 =	sadd.s32 @!p0 $0x3300, s24  }
0xb7: {  	[tilespmem:s26], [sflag:$0x1] =	stream.indirect.gather @!p0 [hbm4b:s4+s25], $0x80, s24, s25, $0xb8;
	[tilespmem:$0x15A00] =	vst v63  }
0xb8: {  	_ =	swait.ge [sflag:s17], $0x4000  }
0xb9: {  	[sflag:s17] =	ssyncset.done $0x0  }
0xba: {  	s25 =	simm.s32 $0xD700;
	[sflag:s17] =	ssyncadd.s32 $0xFFFFC000  }
0xbb: {  	s29 =	sshll.u32 s23, $0x6;
	v4 =	vld [tilespmem:s25+$0x80]  }
0xbc: {  	s30 =	simm.s32 $0x3;
	s24 =	sand.u32 $0x3FFFFFC0, s29  }
0xbd: {  	v5 =	vmov s30;
	v10 =	vld [tilespmem:s24+$0x0]  }
0xbe: {  	v15 =	vand.u32 $0x7F, v5  }
0xbf: {  	v9 =	vadd.s32 v0, v15;
	v8 =	vld [tilespmem:s25+$0xFFFFFF00]  }
0xc0: {  	s31 =	simm.s32 $0x0;
	v11 =	vld [tilespmem:s25+$0xFFFFFF80];
	v4 =	vmul.f32 $8.000000000e+00, v4  }
0xc1: {  	v6 =	vmov s31;
	s29 =	simm.s32 $0x1;
	v12 =	vld [tilespmem:s25+$0x0]  }
0xc2: {  	s30 =	simm.s32 $0x2;
	v14 =	vand.u32 $0x7C, v6;
	v6 =	vmov s29;
	v7 =	vld [tilespmem:s24+$0x10];
	v13 =	vadd.f32 v4, v10  }
0xc3: {  	v17 =	vmov s30;
	v16 =	vadd.s32 v0, v14;
	v30 =	vand.u32 $0x7D, v6;
	v5 =	vld [tilespmem:s24+$0x20]  }
0xc4: {  	v6 =	vand.u32 $0x7E, v17;
	v17 =	vadd.s32 v0, v30;
	v8 =	vmul.f32 $8.000000000e+00, v8;
	v4 =	vld [tilespmem:s24+$0x30];
	[tilespmem:v9+s18+$0x0] =	vst.idx.msk $0xffff, v13  }
0xc5: {  	v9 =	vmul.f32 $8.000000000e+00, v11;
	v11 =	vadd.s32 v0, v6;
	v13 =	vld [tilespmem:s25+$0x90]  }
0xc6: {  	v12 =	vmul.f32 $8.000000000e+00, v12;
	v8 =	vadd.f32 v8, v10  }
0xc7: {  	v9 =	vadd.f32 v9, v10  }
0xc8: {  	[tilespmem:v16+s18+$0x0] =	vst.idx.msk $0xffff, v8;
	v8 =	vadd.f32 v12, v10  }
0xc9: {  	v12 =	vld [tilespmem:s25+$0xFFFFFF10];
	[tilespmem:v17+s18+$0x0] =	vst.idx.msk $0xffff, v9;
	v9 =	vadd.s32 v1, v15  }
0xca: {  	v16 =	vld [tilespmem:s25+$0xFFFFFF90];
	[tilespmem:v11+s18+$0x0] =	vst.idx.msk $0xffff, v8;
	v8 =	vmul.f32 $8.000000000e+00, v13  }
0xcb: {  	s24 =	simm.s32 $0xD900;
	v11 =	vld [tilespmem:s25+$0x10]  }
0xcc: {  	v19 =	vld [tilespmem:s24+$0x80];
	v8 =	vadd.f32 v8, v7  }
0xcd: {  	s31 =	simm.s32 $0x4;
	v26 =	vadd.s32 v2, v15;
	v13 =	vadd.s32 v1, v14  }
0xce: {  	v18 =	vadd.s32 v1, v30;
	v17 =	vmov s31;
	v12 =	vmul.f32 $8.000000000e+00, v12;
	[tilespmem:v9+s18+$0x0] =	vst.idx.msk $0xffff, v8  }
0xcf: {  	s29 =	simm.s32 $0x7;
	v8 =	vand.u32 $0x7C, v17;
	v9 =	vmul.f32 $8.000000000e+00, v16;
	v16 =	vadd.s32 v1, v6;
	v17 =	vld [tilespmem:s25+$0xA0]  }
0xd0: {  	v21 =	vmov s29;
	v20 =	vld [tilespmem:s24+$0xFFFFFF00];
	v12 =	vadd.f32 v12, v7;
	v11 =	vmul.f32 $8.000000000e+00, v11  }
0xd1: {  	v24 =	vld [tilespmem:s24+$0xFFFFFF80];
	v19 =	vmul.f32 $8.000000000e+00, v19;
	v23 =	vadd.f32 v9, v7;
	v9 =	vand.u32 $0x7F, v21  }
0xd2: {  	s30 =	simm.s32 $0x5;
	[tilespmem:v13+s18+$0x0] =	vst.idx.msk $0xffff, v12;
	v12 =	vld [tilespmem:s24+$0x0];
	v11 =	vadd.f32 v11, v7;
	v25 =	vadd.s32 v0, v9  }
0xd3: {  	s31 =	simm.s32 $0x6;
	v19 =	vadd.f32 v19, v10;
	v22 =	vadd.s32 v0, v8;
	v21 =	vmov s30;
	[tilespmem:v18+s18+$0x0] =	vst.idx.msk $0xffff, v23;
	v23 =	vld [tilespmem:s25+$0xFFFFFF20]  }
0xd4: {  	v13 =	vand.u32 $0x7D, v21;
	v18 =	vmov s31;
	[tilespmem:v16+s18+$0x0] =	vst.idx.msk $0xffff, v11;
	v16 =	vld [tilespmem:s25+$0xFFFFFFA0];
	v17 =	vmul.f32 $8.000000000e+00, v17  }
0xd5: {  	v11 =	vand.u32 $0x7E, v18;
	v18 =	vmul.f32 $8.000000000e+00, v20;
	v20 =	vadd.s32 v0, v13;
	v21 =	vld [tilespmem:s25+$0x20]  }
0xd6: {  	v24 =	vmul.f32 $8.000000000e+00, v24;
	v27 =	vadd.s32 v0, v11;
	v17 =	vadd.f32 v17, v5  }
0xd7: {  	v12 =	vmul.f32 $8.000000000e+00, v12;
	v18 =	vadd.f32 v18, v10;
	[tilespmem:v25+s18+$0x0] =	vst.idx.msk $0xffff, v19;
	v19 =	vadd.s32 v2, v14  }
0xd8: {  	v24 =	vadd.f32 v24, v10;
	v25 =	vld [tilespmem:s24+$0x90];
	v23 =	vmul.f32 $8.000000000e+00, v23;
	[tilespmem:v26+s18+$0x0] =	vst.idx.msk $0xffff, v17;
	v17 =	vadd.s32 v2, v30  }
0xd9: {  	[tilespmem:v22+s18+$0x0] =	vst.idx.msk $0xffff, v18;
	v18 =	vadd.f32 v12, v10;
	v16 =	vmul.f32 $8.000000000e+00, v16;
	v26 =	vadd.s32 v2, v6;
	v22 =	vld [tilespmem:s25+$0xB0]  }
0xda: {  	s26 =	simm.s32 $0x8;
	v28 =	vld [tilespmem:s24+$0xFFFFFF10];
	[tilespmem:v20+s18+$0x0] =	vst.idx.msk $0xffff, v24;
	v21 =	vmul.f32 $8.000000000e+00, v21;
	v23 =	vadd.f32 v23, v5  }
0xdb: {  	v31 =	vadd.s32 v1, v9;
	v12 =	vmov s26;
	v24 =	vld [tilespmem:s24+$0xFFFFFF90];
	[tilespmem:v27+s18+$0x0] =	vst.idx.msk $0xffff, v18;
	v16 =	vadd.f32 v16, v5  }
0xdc: {  	s28 =	simm.s32 $0x9;
	v14 =	vadd.s32 v3, v14;
	v12 =	vand.u32 $0x7C, v12;
	v27 =	vld [tilespmem:s24+$0x10];
	v29 =	vadd.f32 v21, v5;
	[tilespmem:v19+s18+$0x0] =	vst.idx.msk $0xffff, v23  }
0xdd: {  	v20 =	vmov s28;
	v19 =	vadd.s32 v3, v15;
	v32 =	vmul.f32 $8.000000000e+00, v25;
	v21 =	vld [tilespmem:s25+$0xFFFFFF30];
	[tilespmem:v17+s18+$0x0] =	vst.idx.msk $0xffff, v16  }
0xde: {  	v18 =	vadd.s32 v0, v12;
	v25 =	vadd.s32 v1, v8;
	[tilespmem:v26+s18+$0x0] =	vst.idx.msk $0xffff, v29;
	v15 =	vmul.f32 $8.000000000e+00, v22;
	v17 =	vld [tilespmem:s25+$0xFFFFFFB0]  }
0xdf: {  	v23 =	vadd.s32 v1, v13;
	v28 =	vmul.f32 $8.000000000e+00, v28;
	v32 =	vadd.f32 v32, v7;
	v16 =	vld [tilespmem:s25+$0x30]  }
0xe0: {  	v26 =	vmul.f32 $8.000000000e+00, v24;
	v22 =	vadd.s32 v1, v11;
	s25 =	simm.s32 $0xDB00;
	v24 =	vadd.f32 v15, v4  }
0xe1: {  	s28 =	simm.s32 $0xC;
	v29 =	vld [tilespmem:s25+$0x80];
	v28 =	vadd.f32 v28, v7;
	v27 =	vmul.f32 $8.000000000e+00, v27;
	[tilespmem:v31+s18+$0x0] =	vst.idx.msk $0xffff, v32;
	v15 =	vadd.s32 v3, v30  }
.LBB2_7:
0xe2: {  	p0 =	slt.u32 s28, $0x7C;
	s29 =	sadd.s32 $0x3, s26;
	v26 =	vadd.f32 v26, v7;
	v30 =	vld [tilespmem:s24+$0xA0];
	v21 =	vmul.f32 $8.000000000e+00, v21;
	v31 =	vadd.s32 v3, v6;
	[tilespmem:v19+s18+$0x0] =	vst.idx.msk $0xffff, v24  }
0xe3: {  	v32 =	vmovc v13;
	v6 =	vmovc v11;
	v19 =	vld [tilespmem:s25+$0xFFFFFF00];
	v24 =	vmov s29;
	[tilespmem:v25+s18+$0x0] =	vst.idx.msk $0xffff, v28;
	v25 =	vadd.f32 v27, v7;
	v17 =	vmul.f32 $8.000000000e+00, v17  }
0xe4: {  	s29 =	sadd.s32 $0x2, s26;
	s26 =	smov.u32 s28;
	v27 =	vld [tilespmem:s25+$0xFFFFFF80];
	v24 =	vand.u32 $0x7F, v24;
	[tilespmem:v23+s18+$0x0] =	vst.idx.msk $0xffff, v26;
	v11 =	vadd.f32 v21, v4;
	v13 =	vmul.f32 $8.000000000e+00, v16  }
0xe5: {  	v16 =	vmov s29;
	v21 =	vld [tilespmem:s25+$0x0];
	v23 =	vadd.s32 v0, v24;
	[tilespmem:v22+s18+$0x0] =	vst.idx.msk $0xffff, v25;
	v17 =	vadd.f32 v17, v4  }
0xe6: {  	v26 =	vadd.s32 v2, v9;
	v22 =	vmul.f32 $8.000000000e+00, v29;
	v25 =	vld [tilespmem:s24+$0xFFFFFF20];
	[tilespmem:v14+s18+$0x0] =	vst.idx.msk $0xffff, v11;
	v14 =	vadd.f32 v13, v4  }
0xe7: {  	v13 =	vand.u32 $0x7D, v20;
	v11 =	vand.u32 $0x7E, v16;
	v16 =	vld [tilespmem:s24+$0xFFFFFFA0];
	v20 =	vmul.f32 $8.000000000e+00, v30;
	[tilespmem:v15+s18+$0x0] =	vst.idx.msk $0xffff, v17  }
0xe8: {  	v17 =	vadd.s32 v0, v13;
	v15 =	vmul.f32 $8.000000000e+00, v19;
	v19 =	vadd.f32 v22, v10;
	v22 =	vld [tilespmem:s24+$0x20];
	[tilespmem:v31+s18+$0x0] =	vst.idx.msk $0xffff, v14  }
0xe9: {  	v14 =	vmul.f32 $8.000000000e+00, v27;
	v27 =	vadd.s32 v0, v11;
	v20 =	vadd.f32 v20, v5  }
0xea: {  	v15 =	vadd.f32 v15, v10;
	v21 =	vmul.f32 $8.000000000e+00, v21;
	[tilespmem:v23+s18+$0x0] =	vst.idx.msk $0xffff, v19;
	v19 =	vadd.s32 v2, v8  }
0xeb: {  	v28 =	vadd.s32 v2, v32;
	v14 =	vadd.f32 v14, v10;
	v23 =	vld [tilespmem:s25+$0x90];
	v25 =	vmul.f32 $8.000000000e+00, v25;
	[tilespmem:v26+s18+$0x0] =	vst.idx.msk $0xffff, v20  }
0xec: {  	v26 =	vadd.s32 v2, v6;
	[tilespmem:v18+s18+$0x0] =	vst.idx.msk $0xffff, v15;
	v15 =	vadd.f32 v21, v10;
	v16 =	vmul.f32 $8.000000000e+00, v16;
	v29 =	vld [tilespmem:s24+$0xB0]  }
0xed: {  	v18 =	vmov s28;
	v30 =	vld [tilespmem:s25+$0xFFFFFF10];
	[tilespmem:v17+s18+$0x0] =	vst.idx.msk $0xffff, v14;
	v14 =	vadd.f32 v25, v5;
	v17 =	vmul.f32 $8.000000000e+00, v22  }
0xee: {  	s29 =	sadd.s32 $0x1, s28;
	v31 =	vand.u32 $0x7C, v18;
	v22 =	vld [tilespmem:s25+$0xFFFFFF90];
	[tilespmem:v27+s18+$0x0] =	vst.idx.msk $0xffff, v15;
	v15 =	vadd.f32 v16, v5  }
0xef: {  	v33 =	vadd.s32 v1, v24;
	v20 =	vmov s29;
	v27 =	vld [tilespmem:s25+$0x10];
	[tilespmem:v19+s18+$0x0] =	vst.idx.msk $0xffff, v14;
	v16 =	vadd.f32 v17, v5  }
.Ltmp2:
0xf0: {  	v14 =	vadd.s32 v3, v8;
	v19 =	vadd.s32 v3, v9;
	v34 =	vmul.f32 $8.000000000e+00, v23;
	v21 =	vld [tilespmem:s24+$0xFFFFFF30];
	[tilespmem:v28+s18+$0x0] =	vst.idx.msk $0xffff, v15;
	(pc) =	sbr.rel @p0 .LBB2_7-.Ltmp2, $4  }
0xf1: {  	v25 =	vadd.s32 v1, v12;
	v18 =	vadd.s32 v0, v31;
	v17 =	vld [tilespmem:s24+$0xFFFFFFB0];
	[tilespmem:v26+s18+$0x0] =	vst.idx.msk $0xffff, v16;
	v15 =	vmul.f32 $8.000000000e+00, v29  }
0xf2: {  	v9 =	vmovc v24;
	v8 =	vmovc v12;
	v23 =	vadd.s32 v1, v13;
	v28 =	vmul.f32 $8.000000000e+00, v30;
	v30 =	vadd.f32 v34, v7;
	v16 =	vld [tilespmem:s24+$0x30];
	s24 =	smov.u32 s25  }
0xf3: {  	v12 =	vmovc v31;
	s25 =	sadd.s32 $0x200, s25;
	v26 =	vmul.f32 $8.000000000e+00, v22;
	v22 =	vadd.s32 v1, v11;
	v24 =	vadd.f32 v15, v4  }
0xf4: {  	s28 =	sadd.s32 $0x4, s28;
	v15 =	vadd.s32 v3, v32;
	v29 =	vld [tilespmem:s25+$0x80];
	v28 =	vadd.f32 v28, v7;
	v27 =	vmul.f32 $8.000000000e+00, v27;
	[tilespmem:v33+s18+$0x0] =	vst.idx.msk $0xffff, v30  }
0xf5: {  	s28 =	sadd.s32 $0x3, s26;
	v30 =	vld [tilespmem:s25+$0xFFFFFF00]  }
0xf6: {  	v32 =	vld [tilespmem:s25+$0xFFFFFF80];
	v31 =	vmov s28  }
0xf7: {  	v33 =	vld [tilespmem:s25+$0x0];
	v31 =	vand.u32 $0x7F, v31  }
0xf8: {  	s31 =	sadd.s32 $0x2, s26;
	v34 =	vadd.s32 v0, v31  }
0xf9: {  	v20 =	vand.u32 $0x7D, v20;
	v35 =	vmov s31;
	v29 =	vmul.f32 $8.000000000e+00, v29  }
0xfa: {  	v36 =	vadd.s32 v0, v20;
	v35 =	vand.u32 $0x7E, v35;
	v30 =	vmul.f32 $8.000000000e+00, v30  }
0xfb: {  	v37 =	vadd.s32 v0, v35;
	v32 =	vmul.f32 $8.000000000e+00, v32;
	v29 =	vadd.f32 v29, v10  }
0xfc: {  	v33 =	vmul.f32 $8.000000000e+00, v33;
	v30 =	vadd.f32 v30, v10  }
0xfd: {  	v58 =	vadd.f32 v32, v10;
	[tilespmem:v34+s18+$0x0] =	vst.idx.msk $0xffff, v29  }
0xfe: {  	v60 =	vadd.f32 v33, v10;
	[tilespmem:v18+s18+$0x0] =	vst.idx.msk $0xffff, v30;
	v59 =	vld [tilespmem:s25+$0x90]  }
0xff: {  	[tilespmem:v36+s18+$0x0] =	vst.idx.msk $0xffff, v58;
	v30 =	vld [tilespmem:s25+$0xFFFFFF10]  }
0x100: {  	[tilespmem:v37+s18+$0x0] =	vst.idx.msk $0xffff, v60;
	v29 =	vld [tilespmem:s25+$0xFFFFFF90]  }
0x101: {  	v10 =	vld [tilespmem:s25+$0x10]  }
0x102: {  	v61 =	vadd.s32 v1, v31  }
0x103: {  	v26 =	vadd.f32 v26, v7;
	v62 =	vadd.s32 v1, v12;
	v18 =	vmul.f32 $8.000000000e+00, v59  }
0x104: {  	v63 =	vld [tilespmem:s24+$0xA0];
	[tilespmem:v25+s18+$0x0] =	vst.idx.msk $0xffff, v28;
	v27 =	vadd.f32 v27, v7;
	v36 =	vadd.s32 v1, v20;
	v34 =	vmul.f32 $8.000000000e+00, v30  }
0x105: {  	[tilespmem:v23+s18+$0x0] =	vst.idx.msk $0xffff, v26;
	v39 =	vadd.s32 v1, v35;
	v37 =	vld [tilespmem:s24+$0xFFFFFF20];
	v38 =	vmul.f32 $8.000000000e+00, v29;
	v18 =	vadd.f32 v18, v7  }
0x106: {  	[tilespmem:v22+s18+$0x0] =	vst.idx.msk $0xffff, v27;
	v40 =	vld [tilespmem:s24+$0xFFFFFFA0];
	v10 =	vmul.f32 $8.000000000e+00, v10;
	v41 =	vadd.f32 v34, v7  }
0x107: {  	v42 =	vld [tilespmem:s24+$0x20];
	v26 =	vadd.f32 v38, v7;
	[tilespmem:v61+s18+$0x0] =	vst.idx.msk $0xffff, v18  }
0x108: {  	v21 =	vmul.f32 $8.000000000e+00, v21;
	v43 =	vadd.s32 v2, v9;
	v44 =	vadd.f32 v10, v7;
	[tilespmem:v62+s18+$0x0] =	vst.idx.msk $0xffff, v41;
	v45 =	vld [tilespmem:s25+$0xA0]  }
0x109: {  	v46 =	vadd.s32 v2, v8;
	v25 =	vmul.f32 $8.000000000e+00, v63;
	[tilespmem:v36+s18+$0x0] =	vst.idx.msk $0xffff, v26;
	v47 =	vld [tilespmem:s25+$0xFFFFFF20]  }
0x10a: {  	v48 =	vadd.s32 v2, v13;
	v21 =	vadd.f32 v21, v4;
	v23 =	vmul.f32 $8.000000000e+00, v37;
	[tilespmem:v39+s18+$0x0] =	vst.idx.msk $0xffff, v44;
	v49 =	vld [tilespmem:s25+$0xFFFFFFA0]  }
0x10b: {  	[tilespmem:v19+s18+$0x0] =	vst.idx.msk $0xffff, v24;
	v51 =	vadd.s32 v2, v11;
	v50 =	vadd.f32 v25, v5;
	v22 =	vmul.f32 $8.000000000e+00, v40;
	v52 =	vld [tilespmem:s25+$0x20]  }
0x10c: {  	v54 =	vadd.s32 v2, v31;
	[tilespmem:v14+s18+$0x0] =	vst.idx.msk $0xffff, v21;
	v53 =	vadd.f32 v23, v5;
	v18 =	vmul.f32 $8.000000000e+00, v42  }
0x10d: {  	v56 =	vadd.s32 v2, v12;
	[tilespmem:v43+s18+$0x0] =	vst.idx.msk $0xffff, v50;
	v55 =	vadd.f32 v22, v5;
	v10 =	vmul.f32 $8.000000000e+00, v45  }
0x10e: {  	v60 =	vadd.s32 v2, v20;
	v57 =	vld [tilespmem:s24+$0xB0];
	[tilespmem:v46+s18+$0x0] =	vst.idx.msk $0xffff, v53;
	v58 =	vadd.f32 v18, v5;
	v59 =	vmul.f32 $8.000000000e+00, v47  }
0x10f: {  	v32 =	vadd.s32 v2, v35;
	[tilespmem:v48+s18+$0x0] =	vst.idx.msk $0xffff, v55;
	v61 =	vld [tilespmem:s24+$0xFFFFFF30];
	v63 =	vmul.f32 $8.000000000e+00, v49;
	v62 =	vadd.f32 v10, v5  }
0x110: {  	v33 =	vld [tilespmem:s24+$0xFFFFFFB0];
	[tilespmem:v51+s18+$0x0] =	vst.idx.msk $0xffff, v58;
	v36 =	vmul.f32 $8.000000000e+00, v52;
	v34 =	vadd.f32 v59, v5  }
0x111: {  	v6 =	vadd.s32 v3, v6;
	v17 =	vmul.f32 $8.000000000e+00, v17;
	v24 =	vld [tilespmem:s24+$0x30];
	v37 =	vadd.f32 v63, v5;
	[tilespmem:v54+s18+$0x0] =	vst.idx.msk $0xffff, v62  }
0x112: {  	v38 =	vmul.f32 $8.000000000e+00, v16;
	v39 =	vadd.s32 v3, v9;
	v5 =	vadd.f32 v36, v5;
	v40 =	vld [tilespmem:s25+$0xB0];
	[tilespmem:v56+s18+$0x0] =	vst.idx.msk $0xffff, v34  }
0x113: {  	v43 =	vmul.f32 $8.000000000e+00, v57;
	v42 =	vadd.s32 v3, v8;
	v41 =	vadd.f32 v17, v4;
	[tilespmem:v60+s18+$0x0] =	vst.idx.msk $0xffff, v37;
	v44 =	vld [tilespmem:s25+$0xFFFFFF30]  }
0x114: {  	v46 =	vadd.s32 v3, v13;
	v45 =	vadd.f32 v38, v4;
	v47 =	vmul.f32 $8.000000000e+00, v61;
	[tilespmem:v32+s18+$0x0] =	vst.idx.msk $0xffff, v5;
	v48 =	vld [tilespmem:s25+$0xFFFFFFB0]  }
0x115: {  	v50 =	vmul.f32 $8.000000000e+00, v33;
	[tilespmem:v15+s18+$0x0] =	vst.idx.msk $0xffff, v41;
	v49 =	vadd.s32 v3, v11;
	v5 =	vadd.f32 v43, v4;
	v51 =	vld [tilespmem:s25+$0x30]  }
0x116: {  	[tilespmem:v6+s18+$0x0] =	vst.idx.msk $0xffff, v45;
	v52 =	vadd.f32 v47, v4;
	v53 =	vmul.f32 $8.000000000e+00, v24;
	v54 =	vadd.s32 v3, v31  }
0x117: {  	v55 =	vadd.s32 v3, v12;
	[tilespmem:v39+s18+$0x0] =	vst.idx.msk $0xffff, v5;
	v5 =	vadd.f32 v50, v4;
	v56 =	vmul.f32 $8.000000000e+00, v40  }
0x118: {  	v58 =	vadd.s32 v3, v20;
	[tilespmem:v42+s18+$0x0] =	vst.idx.msk $0xffff, v52;
	v57 =	vadd.f32 v53, v4;
	v59 =	vmul.f32 $8.000000000e+00, v44  }
0x119: {  	v60 =	vadd.s32 v3, v35;
	[tilespmem:v46+s18+$0x0] =	vst.idx.msk $0xffff, v5;
	v61 =	vmul.f32 $8.000000000e+00, v48;
	v5 =	vadd.f32 v56, v4  }
0x11a: {  	[tilespmem:v49+s18+$0x0] =	vst.idx.msk $0xffff, v57;
	v63 =	vmul.f32 $8.000000000e+00, v51;
	v62 =	vadd.f32 v59, v4  }
0x11b: {  	s23 =	sshll.u32 s23, $0x12;
	[tilespmem:v54+s18+$0x0] =	vst.idx.msk $0xffff, v5;
	v5 =	vadd.f32 v61, v4  }
0x11c: {  	s23 =	sor.u32 s7, s23;
	v4 =	vadd.f32 v63, v4;
	[tilespmem:v55+s18+$0x0] =	vst.idx.msk $0xffff, v62  }
0x11d: {  	s23 =	sshrl.u32 s23, $0x3;
	[tilespmem:v58+s18+$0x0] =	vst.idx.msk $0xffff, v5  }
0x11e: {  	s24 =	sadd.s32 s2, s23;
	s25 =	simm.s32 $0x13800;
	[tilespmem:v60+s18+$0x0] =	vst.idx.msk $0xffff, v4  }
0x11f: {  	[hbm4b:s24+s3] =	stream.linear.scatter [tilespmem:s25], [sflag:$0x4], $0x80, $0x38;
	[tilespmem:$0x15A00] =	vst v63  }
0x120: {  	s26 =	simm.s32 $0x13888;
	s29 =	sadd.s32 $0x10, s24  }
0x121: {  	[hbm4b:s29+s3] =	stream.linear.scatter [tilespmem:s26], [sflag:$0x4], $0x80, $0x38;
	[tilespmem:$0x15A00] =	vst v63  }
0x122: {  	s30 =	simm.s32 $0x13910;
	s23 =	simm.s32 $0x440;
	s31 =	sadd.s32 $0x20, s24  }
0x123: {  	[hbm4b:s31+s3] =	stream.linear.scatter [tilespmem:s30], [sflag:$0x4], $0x80, $0x38;
	[tilespmem:$0x15A00] =	vst v63  }
0x124: {  	s28 =	sadd.s32 $0x70, s24;
	s26 =	simm.s32 $0x13998;
	s29 =	sadd.s32 $0x30, s24  }
0x125: {  	[hbm4b:s29+s3] =	stream.linear.scatter [tilespmem:s26], [sflag:$0x4], $0x80, $0x38;
	[tilespmem:$0x15A00] =	vst v63  }
0x126: {  	s25 =	simm.s32 $0x2200;
	s30 =	simm.s32 $0x13A20;
	s31 =	sadd.s32 $0x40, s24  }
0x127: {  	[hbm4b:s31+s3] =	stream.linear.scatter [tilespmem:s30], [sflag:$0x4], $0x80, $0x38;
	[tilespmem:$0x15A00] =	vst v63  }
0x128: {  	s26 =	simm.s32 $0x13AA8;
	s29 =	sadd.s32 $0x50, s24;
	s30 =	simm.s32 $0x13B30  }
0x129: {  	[hbm4b:s29+s3] =	stream.linear.scatter [tilespmem:s26], [sflag:$0x4], $0x80, $0x38;
	[tilespmem:$0x15A00] =	vst v63  }
0x12a: {  	s31 =	sadd.s32 $0x60, s24;
	s24 =	sadd.s32 $0x1000, s24;
	s26 =	simm.s32 $0x13BB8  }
0x12b: {  	[hbm4b:s31+s3] =	stream.linear.scatter [tilespmem:s30], [sflag:$0x4], $0x80, $0x38;
	[tilespmem:$0x15A00] =	vst v63  }
.LBB2_9:
0x12c: {  	[hbm4b:s28+s3] =	stream.linear.scatter [tilespmem:s26], [sflag:$0x4], $0x80, $0x38;
	[tilespmem:$0x15A00] =	vst v63  }
0x12d: {  	s26 =	smov.u32 s23;
	s23 =	smov.u32 s25  }
0x12e: {  	s29 =	sadd.s32 $0x1100, s25;
	s23 =	sshra.s32 s23, $0x2;
	s28 =	sadd.s32 $0x13800, s26  }
0x12f: {  	[hbm4b:s24+s3] =	stream.linear.scatter [tilespmem:s28], [sflag:$0x4], $0x80, $0x38;
	[tilespmem:$0x15A00] =	vst v63  }
0x130: {  	p0 =	sne.s32 s25, $0x7700;
	s25 =	sadd.s32 $0x13888, s26;
	s28 =	sadd.s32 $0x10, s24  }
0x131: {  	[hbm4b:s28+s3] =	stream.linear.scatter [tilespmem:s25], [sflag:$0x4], $0x80, $0x38;
	[tilespmem:$0x15A00] =	vst v63  }
0x132: {  	s25 =	sadd.s32 $0x13910, s26;
	s28 =	sadd.s32 $0x20, s24  }
0x133: {  	[hbm4b:s28+s3] =	stream.linear.scatter [tilespmem:s25], [sflag:$0x4], $0x80, $0x38;
	[tilespmem:$0x15A00] =	vst v63  }
0x134: {  	s25 =	sadd.s32 $0x13998, s26;
	s28 =	sadd.s32 $0x30, s24  }
0x135: {  	[hbm4b:s28+s3] =	stream.linear.scatter [tilespmem:s25], [sflag:$0x4], $0x80, $0x38;
	[tilespmem:$0x15A00] =	vst v63  }
0x136: {  	s25 =	sadd.s32 $0x13A20, s26;
	s28 =	sadd.s32 $0x40, s24  }
0x137: {  	[hbm4b:s28+s3] =	stream.linear.scatter [tilespmem:s25], [sflag:$0x4], $0x80, $0x38;
	[tilespmem:$0x15A00] =	vst v63  }
.Ltmp3:
0x138: {  	s25 =	sadd.s32 $0x13AA8, s26;
	s28 =	sadd.s32 $0x50, s24;
	(pc) =	sbr.rel @p0 .LBB2_9-.Ltmp3, $4  }
0x139: {  	[hbm4b:s28+s3] =	stream.linear.scatter [tilespmem:s25], [sflag:$0x4], $0x80, $0x38;
	[tilespmem:$0x15A00] =	vst v63  }
0x13a: {  	s25 =	sadd.s32 $0x13B30, s26;
	s28 =	sadd.s32 $0x60, s24;
	s26 =	sadd.s32 $0x13BB8, s26  }
0x13b: {  	[hbm4b:s28+s3] =	stream.linear.scatter [tilespmem:s25], [sflag:$0x4], $0x80, $0x38;
	[tilespmem:$0x15A00] =	vst v63  }
0x13c: {  	s28 =	sadd.s32 $0x70, s24;
	s24 =	sadd.s32 $0x1000, s24;
	s25 =	smov.u32 s29  }
0x13d: {  	[hbm4b:s28+s3] =	stream.linear.scatter [tilespmem:s26], [sflag:$0x4], $0x80, $0x38;
	[tilespmem:$0x15A00] =	vst v63  }
0x13e: {  	s25 =	sadd.s32 $0x13800, s23  }
0x13f: {  	[hbm4b:s24+s3] =	stream.linear.scatter [tilespmem:s25], [sflag:$0x4], $0x80, $0x38;
	[tilespmem:$0x15A00] =	vst v63  }
0x140: {  	s30 =	sadd.s32 $0x13888, s23;
	s31 =	sadd.s32 $0x10, s24  }
0x141: {  	[hbm4b:s31+s3] =	stream.linear.scatter [tilespmem:s30], [sflag:$0x4], $0x80, $0x38;
	[tilespmem:$0x15A00] =	vst v63  }
0x142: {  	s28 =	sadd.s32 $0x13910, s23;
	s29 =	sadd.s32 $0x20, s24  }
0x143: {  	[hbm4b:s29+s3] =	stream.linear.scatter [tilespmem:s28], [sflag:$0x4], $0x80, $0x38;
	[tilespmem:$0x15A00] =	vst v63  }
0x144: {  	s30 =	sadd.s32 $0x13998, s23;
	s31 =	sadd.s32 $0x30, s24  }
0x145: {  	[hbm4b:s31+s3] =	stream.linear.scatter [tilespmem:s30], [sflag:$0x4], $0x80, $0x38;
	[tilespmem:$0x15A00] =	vst v63  }
0x146: {  	s22 =	sadd.s32 $0x1, s22;
	s28 =	sadd.s32 $0x13A20, s23;
	s29 =	sadd.s32 $0x40, s24  }
0x147: {  	[hbm4b:s29+s3] =	stream.linear.scatter [tilespmem:s28], [sflag:$0x4], $0x80, $0x38;
	[tilespmem:$0x15A00] =	vst v63  }
0x148: {  	p0 =	sne.s32 s22, $0x64;
	s30 =	sadd.s32 $0x13AA8, s23;
	s31 =	sadd.s32 $0x50, s24  }
0x149: {  	[hbm4b:s31+s3] =	stream.linear.scatter [tilespmem:s30], [sflag:$0x4], $0x80, $0x38;
	[tilespmem:$0x15A00] =	vst v63  }
.Ltmp4:
0x14a: {  	_ = 	snop;
	(pc) =	sbr.rel @p0 .LBB2_2-.Ltmp4, $4  }
0x14b: {  	s28 =	sadd.s32 $0x13B30, s23;
	s29 =	sadd.s32 $0x60, s24  }
0x14c: {  	[hbm4b:s29+s3] =	stream.linear.scatter [tilespmem:s28], [sflag:$0x4], $0x80, $0x38;
	[tilespmem:$0x15A00] =	vst v63  }
0x14d: {  	s30 =	sadd.s32 $0x13BB8, s23;
	s31 =	sadd.s32 $0x70, s24  }
0x14e: {  	[hbm4b:s31+s3] =	stream.linear.scatter [tilespmem:s30], [sflag:$0x4], $0x80, $0x38;
	[tilespmem:$0x15A00] =	vst v63  }
0x14f: {  	s21 =	sadd.s32 $0x1, s21  }
0x150: {  	_ =	swait.ge [sflag:s19], $0x2000;
	p0 =	sne.s32 s21, s8  }
.Ltmp5:
0x151: {  	[sflag:s19] =	ssyncset.done $0x0;
	(pc) =	sbr.rel @p0 .LBB2_1-.Ltmp5, $4  }
0x152: {  	[sflag:s19] =	ssyncadd.s32 $0xFFFFE000  }
0x153: {  	_ =	swait.ge [sflag:s20], $0x2000  }
0x154: {  	[sflag:s20] =	ssyncset.done $0x0  }
0x155: {  	[sflag:s20] =	ssyncadd.s32 $0xFFFFE000  }
0x156: {  	_ =	sfence.sel $0x180000  }
0x157: {  	[bflag:$0x0] =	sbarrier.arrive $0xFFFF  }
0x158: {  	p0 =	sne.s32 s1, $0x0;
	_ =	strace $0x90000047  }
0x159: {  	s0 =	sadd.s32 @!p0 $0x100000, s0;
	[bflag:$0x2] =	sbarrier.arrive $0xFFFF  }
0x15a: {  	[sflag:s0] =	ssyncadd.tile.s32 @!p0 $0x1;
	_ =	shalt  }
.Lfunc_end2:
_tile_overlayer_lowered:
.L_overlay_start_2:
0x15b: {  	(tag) =	ssettag $0x2  }
0x15c: {  	s0 =	rddreg [dreg:$0x0];
	s2 =	stileid.u32  }
0x15d: {  	s1 =	rddreg [dreg:$0x1];
	p0 =	sne.s32 s2, $0x0  }
0x15e: {  	s3 =	rddreg [dreg:$0x2];
	[bflag:$0x3] =	sbarrier.arrive $0xFFFF;
	s2 =	simm.s32 @!p0 $0x1C05  }
0x15f: {  	[timem:s3], [sflag:s2] =	dma.local @!p0 [hbm:s0], s1  }
0x160: {  	s0 =	simm.s32 @!p0 $0x5  }
0x161: {  	_ =	swait.ge @!p0 [sflag:s0], s1  }
0x162: {  	s1 =	ssub.s32 @!p0 $0x0, s1;
	[sflag:s0] =	ssyncset.done @!p0 $0x0  }
0x163: {  	[sflag:s0] =	ssyncadd.s32 @!p0 s1  }
0x164: {  	[bflag:$0x3] =	sbarrier.arrive $0xFFFF  }
0x165: {  	_ =	shalt  }

</sc_bundles>
